<compile_context>
chip_gen: v7x
topology: tpu7x:2x2x1
jax: 0.10.2.dev20260603
libtpu: 0.0.44.dev20260713+nightly
codegen_flags: <defaults>
</compile_context>

<pallas_src>
import functools

import jax
import jax.numpy as jnp
from jax import lax
from jax.experimental import pallas as pl
from jax.experimental.pallas import tpu as pltpu
from jax.experimental.pallas import tpu_sc as plsc

_ROWS = 16384
_COLS = 1024
_N = _ROWS * _COLS
_NW = 32
_PER_W = _N // _NW
_PIECE = 32768
_NPIECE = _PER_W // _PIECE
_VECS = _PIECE // 16
_UNROLL = 4

_C6 = -0.02512320328588397
_C5 = 0.11929823770562167
_C4 = -0.2746232576165834
_C3 = 0.45552708806081527
_C2 = -0.717557872422113
_C1 = 1.4424753148220728
_C0 = 2.123740891470091e-06
_LN2 = 0.6931471805599453


def _sc_yj(lm16, x_flat):
    mesh = plsc.VectorSubcoreMesh(core_axis_name="c", subcore_axis_name="s")

    @functools.partial(
        pl.kernel,
        mesh=mesh,
        out_type=jax.ShapeDtypeStruct((_N,), jnp.float32),
        scratch_types=[
            pltpu.VMEM((16,), jnp.float32),
            pltpu.VMEM((_PIECE,), jnp.float32),
            pltpu.VMEM((_PIECE,), jnp.float32),
        ],
    )
    def k(lm_hbm, x_hbm, o_hbm, lmv, xv, ov):
        wid = lax.axis_index("s") * 2 + lax.axis_index("c")
        pltpu.sync_copy(lm_hbm, lmv)
        lm = lmv[...]
        lme_p = jnp.maximum(lm, 1e-4)
        lme_n = 2.0 - lm
        m1 = 0.5 * (lme_p + lme_n)
        d1 = 0.5 * (lme_p - lme_n)
        inv_p = 1.0 / lme_p
        inv_n = 1.0 / lme_n
        m2 = 0.5 * (inv_p - inv_n)
        d2 = 0.5 * (inv_p + inv_n)
        d1b = lax.bitcast_convert_type(d1, jnp.int32)
        d2b = lax.bitcast_convert_type(d2, jnp.int32)
        base = wid * _PER_W

        def piece(j, carry):
            off = base + j * _PIECE
            pltpu.sync_copy(x_hbm.at[pl.ds(off, _PIECE)], xv)

            def vec(i, c2):
                for u_ in range(_UNROLL):
                    sl = pl.ds((i * _UNROLL + u_) * 16, 16)
                    xb = lax.bitcast_convert_type(xv[sl], jnp.int32)
                    sb = xb & jnp.int32(-0x80000000)
                    ax = lax.bitcast_convert_type(xb ^ sb, jnp.float32)
                    u = ax + 1.0
                    ub = lax.bitcast_convert_type(u, jnp.int32)
                    ef = lax.convert_element_type(
                        (ub >> 23) - 127, jnp.float32)
                    fm = lax.bitcast_convert_type(
                        (ub & jnp.int32(0x007FFFFF)) | jnp.int32(0x3F800000),
                        jnp.float32) - 1.0
                    poly = jnp.float32(_C6)
                    for c in (_C5, _C4, _C3, _C2, _C1, _C0):
                        poly = poly * fm + jnp.float32(c)
                    t2 = ef + poly
                    lme = m1 + lax.bitcast_convert_type(sb ^ d1b, jnp.float32)
                    p = jnp.exp((lme * _LN2) * t2)
                    sinv = m2 + lax.bitcast_convert_type(sb ^ d2b, jnp.float32)
                    ov[sl] = (p - 1.0) * sinv
                return c2

            lax.fori_loop(0, _VECS // _UNROLL, vec, 0)
            pltpu.sync_copy(ov, o_hbm.at[pl.ds(off, _PIECE)])
            return carry

        lax.fori_loop(0, _NPIECE, piece, 0)

    return k(lm16, x_flat)


def kernel(x, lmbda):
    lm16 = jnp.broadcast_to(lmbda, (16,))
    out = _sc_yj(lm16, x.reshape(-1))
    return out.reshape(_ROWS, _COLS)

# --- scband reference (transcript-rebuilt; emitter-appended) ---
"""Pipeline reference for scband-yeo-johnson-2353642078300 (READ-ONLY COPY).

The authoritative reference and input builder live on the scoring server;
editing this copy changes nothing except your own understanding.
"""

import jax, jax.numpy as jnp
import numpy as np


def setup_inputs(seed: int = 0) -> dict:
    key = jax.random.key(seed)
    kx, kl = jax.random.split(key)
    x = jax.random.normal(kx, (16384, 1024), dtype=jnp.float32)
    # learned parameter: lmbda broadcastable to x.shape (torch: self.lmbda.expand(*x.shape))
    lmbda = jax.random.uniform(kl, (1,), dtype=jnp.float32)
    return {"x": x, "lmbda": lmbda}


def reference(x, lmbda):
    lm = jnp.broadcast_to(lmbda, x.shape)
    pos = x >= 0
    lmz = lm == 0.0
    lm2 = lm == 2.0
    # branch-safe operands so untaken where-branches stay finite
    xp = jnp.where(pos, x, 0.0)          # x restricted to the positive branch
    xn = jnp.where(pos, 0.0, x)          # x restricted to the negative branch
    lm_safe = jnp.where(lmz, 1.0, lm)
    den_safe = jnp.where(lm2, 1.0, 2.0 - lm)
    # x >= 0: lmbda == 0 -> log1p(x); else ((x+1)**lmbda - 1) / lmbda
    out_pos = jnp.where(lmz, jnp.log1p(xp), ((xp + 1.0) ** lm_safe - 1.0) / lm_safe)
    # x < 0: lmbda == 2 -> -log1p(-x); else -((-x+1)**(2-lmbda) - 1) / (2 - lmbda)
    out_neg = jnp.where(lm2, -jnp.log1p(-xn), -(((-xn + 1.0) ** (2.0 - lm)) - 1.0) / den_safe)
    out = jnp.where(pos, out_pos, out_neg)
    return out

if __name__ == "__main__":
    import jax
    _d = setup_inputs()
    print(jax.jit(kernel)(*tuple(_d.values())))

</pallas_src>

<mosaic_0001>
#map = affine_map<(d0, d1) -> (0)>
module attributes {stable_mosaic.version = 14 : i64} {
  func.func @k(%arg0: i32, %arg1: i32, %arg2: memref<16xf32, #tpu.memory_space<hbm>>, %arg3: memref<16777216xf32, #tpu.memory_space<hbm>>, %arg4: memref<16777216xf32, #tpu.memory_space<hbm>>, %arg5: memref<16xf32, #tpu.memory_space<vmem>>, %arg6: memref<32768xf32, #tpu.memory_space<vmem>>, %arg7: memref<32768xf32, #tpu.memory_space<vmem>>) attributes {dimension_semantics = [#tpu.dimension_semantics<core_parallel>, #tpu.dimension_semantics<subcore_parallel>], iteration_bounds = array<i64: 2, 16>, scalar_prefetch = 0 : i64, scratch_operands = 3 : i64, tpu.core_type = #tpu.core_type<sc_vector_subcore>, window_params = [{transform_indices = #map}, {transform_indices = #map}, {transform_indices = #map}]} {
    %mul3A = arith.constant 2 : i32
    %mul3A_0 = arith.muli %arg1, %mul3A : i32
    %add3A = arith.addi %mul3A_0, %arg0 : i32
    "tpu.region"() ({
      %run_scoped3A = tpu.sem_alloc : memref<!tpu.dma_semaphore, #tpu.memory_space<semaphore_mem>>
      tpu.enqueue_dma source(%arg2 : memref<16xf32, #tpu.memory_space<hbm>>) target(%arg5 : memref<16xf32, #tpu.memory_space<vmem>>) target_semaphore(%run_scoped3A : memref<!tpu.dma_semaphore, #tpu.memory_space<semaphore_mem>>)
      tpu.wait_dma2 semaphore(%run_scoped3A : memref<!tpu.dma_semaphore, #tpu.memory_space<semaphore_mem>>) src(%arg2 : memref<16xf32, #tpu.memory_space<hbm>>) dst(%arg5 : memref<16xf32, #tpu.memory_space<vmem>>)
      tpu.yield
    }) : () -> ()
    %get3A = arith.constant 0 : index
    %get3A_1 = tpu.vector_load %arg5[%get3A] {strides = array<i32>} : memref<16xf32, #tpu.memory_space<vmem>>, vector<16xf32>,
    %get3A_2 = vector.shape_cast %get3A_1 : vector<16xf32> to vector<16xf32>
    %max3A = arith.constant 9.99999974E-5 : f32
    %max3A_3 = vector.broadcast %max3A : f32 to vector<16xf32>
    %max3A_4 = arith.maximumf %get3A_2, %max3A_3 : vector<16xf32>
    %sub3A = arith.constant 2.000000e+00 : f32
    %sub3A_5 = vector.broadcast %sub3A : f32 to vector<16xf32>
    %sub3A_6 = arith.subf %sub3A_5, %get3A_2 : vector<16xf32>
    %add3A_7 = arith.addf %max3A_4, %sub3A_6 : vector<16xf32>
    %mul3A_8 = arith.constant 5.000000e-01 : f32
    %mul3A_9 = vector.broadcast %mul3A_8 : f32 to vector<16xf32>
    %mul3A_10 = arith.mulf %mul3A_9, %add3A_7 : vector<16xf32>
    %sub3A_11 = arith.subf %max3A_4, %sub3A_6 : vector<16xf32>
    %mul3A_12 = arith.constant 5.000000e-01 : f32
    %mul3A_13 = vector.broadcast %mul3A_12 : f32 to vector<16xf32>
    %mul3A_14 = arith.mulf %mul3A_13, %sub3A_11 : vector<16xf32>
    %div3A = arith.constant 1.000000e+00 : f32
    %div3A_15 = vector.broadcast %div3A : f32 to vector<16xf32>
    %div3A_16 = arith.divf %div3A_15, %max3A_4 : vector<16xf32>
    %div3A_17 = arith.constant 1.000000e+00 : f32
    %div3A_18 = vector.broadcast %div3A_17 : f32 to vector<16xf32>
    %div3A_19 = arith.divf %div3A_18, %sub3A_6 : vector<16xf32>
    %sub3A_20 = arith.subf %div3A_16, %div3A_19 : vector<16xf32>
    %mul3A_21 = arith.constant 5.000000e-01 : f32
    %mul3A_22 = vector.broadcast %mul3A_21 : f32 to vector<16xf32>
    %mul3A_23 = arith.mulf %mul3A_22, %sub3A_20 : vector<16xf32>
    %add3A_24 = arith.addf %div3A_16, %div3A_19 : vector<16xf32>
    %mul3A_25 = arith.constant 5.000000e-01 : f32
    %mul3A_26 = vector.broadcast %mul3A_25 : f32 to vector<16xf32>
    %mul3A_27 = arith.mulf %mul3A_26, %add3A_24 : vector<16xf32>
    %bitcast_convert_type3A = tpu.bitcast %mul3A_14 : vector<16xf32> -> vector<16xi32>
    %bitcast_convert_type3A_28 = tpu.bitcast %mul3A_27 : vector<16xf32> -> vector<16xi32>
    %mul3A_29 = arith.constant 524288 : i32
    %mul3A_30 = arith.muli %add3A, %mul3A_29 : i32
    %scan3A = arith.constant 0 : i32
    %scan3A_31 = arith.constant 0 : i32
    %scan3A_32 = arith.constant 16 : i32
    %scan3A_33 = arith.addi %scan3A_31, %scan3A_32 : i32
    %scan3A_34 = arith.constant 1 : i32
    scf.for %scan3A_36 = %scan3A_31 to %scan3A_33 step %scan3A_34  : i32 {
      %mul3A_37 = arith.constant 32768 : i32
      %mul3A_38 = arith.muli %scan3A_36, %mul3A_37 : i32
      %add3A_39 = arith.addi %mul3A_30, %mul3A_38 : i32
      "tpu.region"() ({
        %run_scoped3A = tpu.sem_alloc : memref<!tpu.dma_semaphore, #tpu.memory_space<semaphore_mem>>
        %dma_start3A = tpu.memref_slice %arg3[%add3A_39] : memref<16777216xf32, #tpu.memory_space<hbm>> -> memref<32768xf32, #tpu.memory_space<hbm>>
        %dma_start3A_46 = tpu.memref_slice %arg3[%add3A_39] : memref<16777216xf32, #tpu.memory_space<hbm>> -> memref<32768xf32, #tpu.memory_space<hbm>>
        tpu.enqueue_dma source(%dma_start3A_46 : memref<32768xf32, #tpu.memory_space<hbm>>) target(%arg6 : memref<32768xf32, #tpu.memory_space<vmem>>) target_semaphore(%run_scoped3A : memref<!tpu.dma_semaphore, #tpu.memory_space<semaphore_mem>>)
        %dma_wait3A = tpu.memref_slice %arg3[%add3A_39] : memref<16777216xf32, #tpu.memory_space<hbm>> -> memref<32768xf32, #tpu.memory_space<hbm>>
        %dma_wait3A_47 = tpu.memref_slice %arg3[%add3A_39] : memref<16777216xf32, #tpu.memory_space<hbm>> -> memref<32768xf32, #tpu.memory_space<hbm>>
        tpu.wait_dma2 semaphore(%run_scoped3A : memref<!tpu.dma_semaphore, #tpu.memory_space<semaphore_mem>>) src(%dma_wait3A_47 : memref<32768xf32, #tpu.memory_space<hbm>>) dst(%arg6 : memref<32768xf32, #tpu.memory_space<vmem>>)
        tpu.yield
      }) : () -> ()
      %scan3A_40 = arith.constant 0 : i32
      %scan3A_41 = arith.constant 0 : i32
      %scan3A_42 = arith.constant 512 : i32
      %scan3A_43 = arith.addi %scan3A_41, %scan3A_42 : i32
      %scan3A_44 = arith.constant 1 : i32
      scf.for %scan3A_46 = %scan3A_41 to %scan3A_43 step %scan3A_44  : i32 {
        %mul3A_47 = arith.constant 4 : i32
        %mul3A_48 = arith.muli %scan3A_46, %mul3A_47 : i32
        %add3A_49 = arith.constant 0 : i32
        %add3A_50 = arith.addi %mul3A_48, %add3A_49 : i32
        %mul3A_51 = arith.constant 16 : i32
        %mul3A_52 = arith.muli %add3A_50, %mul3A_51 : i32
        %get3A_53 = arith.index_cast %mul3A_52 : i32 to index
        %get3A_54 = tpu.vector_load %arg6[%get3A_53] {strides = array<i32>} : memref<32768xf32, #tpu.memory_space<vmem>>, vector<16xf32>,
        %get3A_55 = vector.shape_cast %get3A_54 : vector<16xf32> to vector<16xf32>
        %bitcast_convert_type3A_56 = tpu.bitcast %get3A_55 : vector<16xf32> -> vector<16xi32>
        %and3A = arith.constant -2147483648 : i32
        %and3A_57 = vector.broadcast %and3A : i32 to vector<16xi32>
        %and3A_58 = arith.andi %bitcast_convert_type3A_56, %and3A_57 : vector<16xi32>
        %xor3A = arith.xori %bitcast_convert_type3A_56, %and3A_58 : vector<16xi32>
        %bitcast_convert_type3A_59 = tpu.bitcast %xor3A : vector<16xi32> -> vector<16xf32>
        %add3A_60 = arith.constant 1.000000e+00 : f32
        %add3A_61 = vector.broadcast %add3A_60 : f32 to vector<16xf32>
        %add3A_62 = arith.addf %bitcast_convert_type3A_59, %add3A_61 : vector<16xf32>
        %bitcast_convert_type3A_63 = tpu.bitcast %add3A_62 : vector<16xf32> -> vector<16xi32>
        %shift_right_arithmetic3A = arith.constant 23 : i32
        %shift_right_arithmetic3A_64 = vector.broadcast %shift_right_arithmetic3A : i32 to vector<16xi32>
        %shift_right_arithmetic3A_65 = arith.shrsi %bitcast_convert_type3A_63, %shift_right_arithmetic3A_64 : vector<16xi32>
        %sub3A_66 = arith.constant 127 : i32
        %sub3A_67 = vector.broadcast %sub3A_66 : i32 to vector<16xi32>
        %sub3A_68 = arith.subi %shift_right_arithmetic3A_65, %sub3A_67 : vector<16xi32>
        %convert_element_type3A = arith.sitofp %sub3A_68 : vector<16xi32> to vector<16xf32>
        %and3A_69 = arith.constant 8388607 : i32
        %and3A_70 = vector.broadcast %and3A_69 : i32 to vector<16xi32>
        %and3A_71 = arith.andi %bitcast_convert_type3A_63, %and3A_70 : vector<16xi32>
        %or3A = arith.constant 1065353216 : i32
        %or3A_72 = vector.broadcast %or3A : i32 to vector<16xi32>
        %or3A_73 = arith.ori %and3A_71, %or3A_72 : vector<16xi32>
        %bitcast_convert_type3A_74 = tpu.bitcast %or3A_73 : vector<16xi32> -> vector<16xf32>
        %sub3A_75 = arith.constant 1.000000e+00 : f32
        %sub3A_76 = vector.broadcast %sub3A_75 : f32 to vector<16xf32>
        %sub3A_77 = arith.subf %bitcast_convert_type3A_74, %sub3A_76 : vector<16xf32>
        %mul3A_78 = arith.constant -0.0251232032 : f32
        %mul3A_79 = vector.broadcast %mul3A_78 : f32 to vector<16xf32>
        %mul3A_80 = arith.mulf %mul3A_79, %sub3A_77 : vector<16xf32>
        %add3A_81 = arith.constant 0.119298235 : f32
        %add3A_82 = vector.broadcast %add3A_81 : f32 to vector<16xf32>
        %add3A_83 = arith.addf %mul3A_80, %add3A_82 : vector<16xf32>
        %mul3A_84 = arith.mulf %add3A_83, %sub3A_77 : vector<16xf32>
        %add3A_85 = arith.constant -0.274623245 : f32
        %add3A_86 = vector.broadcast %add3A_85 : f32 to vector<16xf32>
        %add3A_87 = arith.addf %mul3A_84, %add3A_86 : vector<16xf32>
        %mul3A_88 = arith.mulf %add3A_87, %sub3A_77 : vector<16xf32>
        %add3A_89 = arith.constant 0.455527097 : f32
        %add3A_90 = vector.broadcast %add3A_89 : f32 to vector<16xf32>
        %add3A_91 = arith.addf %mul3A_88, %add3A_90 : vector<16xf32>
        %mul3A_92 = arith.mulf %add3A_91, %sub3A_77 : vector<16xf32>
        %add3A_93 = arith.constant -0.717557847 : f32
        %add3A_94 = vector.broadcast %add3A_93 : f32 to vector<16xf32>
        %add3A_95 = arith.addf %mul3A_92, %add3A_94 : vector<16xf32>
        %mul3A_96 = arith.mulf %add3A_95, %sub3A_77 : vector<16xf32>
        %add3A_97 = arith.constant 1.44247532 : f32
        %add3A_98 = vector.broadcast %add3A_97 : f32 to vector<16xf32>
        %add3A_99 = arith.addf %mul3A_96, %add3A_98 : vector<16xf32>
        %mul3A_100 = arith.mulf %add3A_99, %sub3A_77 : vector<16xf32>
        %add3A_101 = arith.constant 2.12374084E-6 : f32
        %add3A_102 = vector.broadcast %add3A_101 : f32 to vector<16xf32>
        %add3A_103 = arith.addf %mul3A_100, %add3A_102 : vector<16xf32>
        %add3A_104 = arith.addf %convert_element_type3A, %add3A_103 : vector<16xf32>
        %xor3A_105 = arith.xori %and3A_58, %bitcast_convert_type3A : vector<16xi32>
        %bitcast_convert_type3A_106 = tpu.bitcast %xor3A_105 : vector<16xi32> -> vector<16xf32>
        %add3A_107 = arith.addf %mul3A_10, %bitcast_convert_type3A_106 : vector<16xf32>
        %mul3A_108 = arith.constant 0.693147182 : f32
        %mul3A_109 = vector.broadcast %mul3A_108 : f32 to vector<16xf32>
        %mul3A_110 = arith.mulf %add3A_107, %mul3A_109 : vector<16xf32>
        %mul3A_111 = arith.mulf %mul3A_110, %add3A_104 : vector<16xf32>
        %exp3A = math.exp %mul3A_111 : vector<16xf32>
        %xor3A_112 = arith.xori %and3A_58, %bitcast_convert_type3A_28 : vector<16xi32>
        %bitcast_convert_type3A_113 = tpu.bitcast %xor3A_112 : vector<16xi32> -> vector<16xf32>
        %add3A_114 = arith.addf %mul3A_23, %bitcast_convert_type3A_113 : vector<16xf32>
        %sub3A_115 = arith.constant 1.000000e+00 : f32
        %sub3A_116 = vector.broadcast %sub3A_115 : f32 to vector<16xf32>
        %sub3A_117 = arith.subf %exp3A, %sub3A_116 : vector<16xf32>
        %mul3A_118 = arith.mulf %sub3A_117, %add3A_114 : vector<16xf32>
        %swap3A = arith.index_cast %mul3A_52 : i32 to index
        %swap3A_119 = tpu.vector_load %arg7[%swap3A] {strides = array<i32>} : memref<32768xf32, #tpu.memory_space<vmem>>, vector<16xf32>,
        %swap3A_120 = vector.shape_cast %swap3A_119 : vector<16xf32> to vector<16xf32>
        %swap3A_121 = vector.shape_cast %mul3A_118 : vector<16xf32> to vector<16xf32>
        tpu.vector_store %arg7[%swap3A], %swap3A_121 {strides = array<i32>} : memref<32768xf32, #tpu.memory_space<vmem>>, vector<16xf32>,
        %mul3A_122 = arith.constant 4 : i32
        %mul3A_123 = arith.muli %scan3A_46, %mul3A_122 : i32
        %add3A_124 = arith.constant 1 : i32
        %add3A_125 = arith.addi %mul3A_123, %add3A_124 : i32
        %mul3A_126 = arith.constant 16 : i32
        %mul3A_127 = arith.muli %add3A_125, %mul3A_126 : i32
        %get3A_128 = arith.index_cast %mul3A_127 : i32 to index
        %get3A_129 = tpu.vector_load %arg6[%get3A_128] {strides = array<i32>} : memref<32768xf32, #tpu.memory_space<vmem>>, vector<16xf32>,
        %get3A_130 = vector.shape_cast %get3A_129 : vector<16xf32> to vector<16xf32>
        %bitcast_convert_type3A_131 = tpu.bitcast %get3A_130 : vector<16xf32> -> vector<16xi32>
        %and3A_132 = arith.constant -2147483648 : i32
        %and3A_133 = vector.broadcast %and3A_132 : i32 to vector<16xi32>
        %and3A_134 = arith.andi %bitcast_convert_type3A_131, %and3A_133 : vector<16xi32>
        %xor3A_135 = arith.xori %bitcast_convert_type3A_131, %and3A_134 : vector<16xi32>
        %bitcast_convert_type3A_136 = tpu.bitcast %xor3A_135 : vector<16xi32> -> vector<16xf32>
        %add3A_137 = arith.constant 1.000000e+00 : f32
        %add3A_138 = vector.broadcast %add3A_137 : f32 to vector<16xf32>
        %add3A_139 = arith.addf %bitcast_convert_type3A_136, %add3A_138 : vector<16xf32>
        %bitcast_convert_type3A_140 = tpu.bitcast %add3A_139 : vector<16xf32> -> vector<16xi32>
        %shift_right_arithmetic3A_141 = arith.constant 23 : i32
        %shift_right_arithmetic3A_142 = vector.broadcast %shift_right_arithmetic3A_141 : i32 to vector<16xi32>
        %shift_right_arithmetic3A_143 = arith.shrsi %bitcast_convert_type3A_140, %shift_right_arithmetic3A_142 : vector<16xi32>
        %sub3A_144 = arith.constant 127 : i32
        %sub3A_145 = vector.broadcast %sub3A_144 : i32 to vector<16xi32>
        %sub3A_146 = arith.subi %shift_right_arithmetic3A_143, %sub3A_145 : vector<16xi32>
        %convert_element_type3A_147 = arith.sitofp %sub3A_146 : vector<16xi32> to vector<16xf32>
        %and3A_148 = arith.constant 8388607 : i32
        %and3A_149 = vector.broadcast %and3A_148 : i32 to vector<16xi32>
        %and3A_150 = arith.andi %bitcast_convert_type3A_140, %and3A_149 : vector<16xi32>
        %or3A_151 = arith.constant 1065353216 : i32
        %or3A_152 = vector.broadcast %or3A_151 : i32 to vector<16xi32>
        %or3A_153 = arith.ori %and3A_150, %or3A_152 : vector<16xi32>
        %bitcast_convert_type3A_154 = tpu.bitcast %or3A_153 : vector<16xi32> -> vector<16xf32>
        %sub3A_155 = arith.constant 1.000000e+00 : f32
        %sub3A_156 = vector.broadcast %sub3A_155 : f32 to vector<16xf32>
        %sub3A_157 = arith.subf %bitcast_convert_type3A_154, %sub3A_156 : vector<16xf32>
        %mul3A_158 = arith.constant -0.0251232032 : f32
        %mul3A_159 = vector.broadcast %mul3A_158 : f32 to vector<16xf32>
        %mul3A_160 = arith.mulf %mul3A_159, %sub3A_157 : vector<16xf32>
        %add3A_161 = arith.constant 0.119298235 : f32
        %add3A_162 = vector.broadcast %add3A_161 : f32 to vector<16xf32>
        %add3A_163 = arith.addf %mul3A_160, %add3A_162 : vector<16xf32>
        %mul3A_164 = arith.mulf %add3A_163, %sub3A_157 : vector<16xf32>
        %add3A_165 = arith.constant -0.274623245 : f32
        %add3A_166 = vector.broadcast %add3A_165 : f32 to vector<16xf32>
        %add3A_167 = arith.addf %mul3A_164, %add3A_166 : vector<16xf32>
        %mul3A_168 = arith.mulf %add3A_167, %sub3A_157 : vector<16xf32>
        %add3A_169 = arith.constant 0.455527097 : f32
        %add3A_170 = vector.broadcast %add3A_169 : f32 to vector<16xf32>
        %add3A_171 = arith.addf %mul3A_168, %add3A_170 : vector<16xf32>
        %mul3A_172 = arith.mulf %add3A_171, %sub3A_157 : vector<16xf32>
        %add3A_173 = arith.constant -0.717557847 : f32
        %add3A_174 = vector.broadcast %add3A_173 : f32 to vector<16xf32>
        %add3A_175 = arith.addf %mul3A_172, %add3A_174 : vector<16xf32>
        %mul3A_176 = arith.mulf %add3A_175, %sub3A_157 : vector<16xf32>
        %add3A_177 = arith.constant 1.44247532 : f32
        %add3A_178 = vector.broadcast %add3A_177 : f32 to vector<16xf32>
        %add3A_179 = arith.addf %mul3A_176, %add3A_178 : vector<16xf32>
        %mul3A_180 = arith.mulf %add3A_179, %sub3A_157 : vector<16xf32>
        %add3A_181 = arith.constant 2.12374084E-6 : f32
        %add3A_182 = vector.broadcast %add3A_181 : f32 to vector<16xf32>
        %add3A_183 = arith.addf %mul3A_180, %add3A_182 : vector<16xf32>
        %add3A_184 = arith.addf %convert_element_type3A_147, %add3A_183 : vector<16xf32>
        %xor3A_185 = arith.xori %and3A_134, %bitcast_convert_type3A : vector<16xi32>
        %bitcast_convert_type3A_186 = tpu.bitcast %xor3A_185 : vector<16xi32> -> vector<16xf32>
        %add3A_187 = arith.addf %mul3A_10, %bitcast_convert_type3A_186 : vector<16xf32>
        %mul3A_188 = arith.constant 0.693147182 : f32
        %mul3A_189 = vector.broadcast %mul3A_188 : f32 to vector<16xf32>
        %mul3A_190 = arith.mulf %add3A_187, %mul3A_189 : vector<16xf32>
        %mul3A_191 = arith.mulf %mul3A_190, %add3A_184 : vector<16xf32>
        %exp3A_192 = math.exp %mul3A_191 : vector<16xf32>
        %xor3A_193 = arith.xori %and3A_134, %bitcast_convert_type3A_28 : vector<16xi32>
        %bitcast_convert_type3A_194 = tpu.bitcast %xor3A_193 : vector<16xi32> -> vector<16xf32>
        %add3A_195 = arith.addf %mul3A_23, %bitcast_convert_type3A_194 : vector<16xf32>
        %sub3A_196 = arith.constant 1.000000e+00 : f32
        %sub3A_197 = vector.broadcast %sub3A_196 : f32 to vector<16xf32>
        %sub3A_198 = arith.subf %exp3A_192, %sub3A_197 : vector<16xf32>
        %mul3A_199 = arith.mulf %sub3A_198, %add3A_195 : vector<16xf32>
        %swap3A_200 = arith.index_cast %mul3A_127 : i32 to index
        %swap3A_201 = tpu.vector_load %arg7[%swap3A_200] {strides = array<i32>} : memref<32768xf32, #tpu.memory_space<vmem>>, vector<16xf32>,
        %swap3A_202 = vector.shape_cast %swap3A_201 : vector<16xf32> to vector<16xf32>
        %swap3A_203 = vector.shape_cast %mul3A_199 : vector<16xf32> to vector<16xf32>
        tpu.vector_store %arg7[%swap3A_200], %swap3A_203 {strides = array<i32>} : memref<32768xf32, #tpu.memory_space<vmem>>, vector<16xf32>,
        %mul3A_204 = arith.constant 4 : i32
        %mul3A_205 = arith.muli %scan3A_46, %mul3A_204 : i32
        %add3A_206 = arith.constant 2 : i32
        %add3A_207 = arith.addi %mul3A_205, %add3A_206 : i32
        %mul3A_208 = arith.constant 16 : i32
        %mul3A_209 = arith.muli %add3A_207, %mul3A_208 : i32
        %get3A_210 = arith.index_cast %mul3A_209 : i32 to index
        %get3A_211 = tpu.vector_load %arg6[%get3A_210] {strides = array<i32>} : memref<32768xf32, #tpu.memory_space<vmem>>, vector<16xf32>,
        %get3A_212 = vector.shape_cast %get3A_211 : vector<16xf32> to vector<16xf32>
        %bitcast_convert_type3A_213 = tpu.bitcast %get3A_212 : vector<16xf32> -> vector<16xi32>
        %and3A_214 = arith.constant -2147483648 : i32
        %and3A_215 = vector.broadcast %and3A_214 : i32 to vector<16xi32>
        %and3A_216 = arith.andi %bitcast_convert_type3A_213, %and3A_215 : vector<16xi32>
        %xor3A_217 = arith.xori %bitcast_convert_type3A_213, %and3A_216 : vector<16xi32>
        %bitcast_convert_type3A_218 = tpu.bitcast %xor3A_217 : vector<16xi32> -> vector<16xf32>
        %add3A_219 = arith.constant 1.000000e+00 : f32
        %add3A_220 = vector.broadcast %add3A_219 : f32 to vector<16xf32>
        %add3A_221 = arith.addf %bitcast_convert_type3A_218, %add3A_220 : vector<16xf32>
        %bitcast_convert_type3A_222 = tpu.bitcast %add3A_221 : vector<16xf32> -> vector<16xi32>
        %shift_right_arithmetic3A_223 = arith.constant 23 : i32
        %shift_right_arithmetic3A_224 = vector.broadcast %shift_right_arithmetic3A_223 : i32 to vector<16xi32>
        %shift_right_arithmetic3A_225 = arith.shrsi %bitcast_convert_type3A_222, %shift_right_arithmetic3A_224 : vector<16xi32>
        %sub3A_226 = arith.constant 127 : i32
        %sub3A_227 = vector.broadcast %sub3A_226 : i32 to vector<16xi32>
        %sub3A_228 = arith.subi %shift_right_arithmetic3A_225, %sub3A_227 : vector<16xi32>
        %convert_element_type3A_229 = arith.sitofp %sub3A_228 : vector<16xi32> to vector<16xf32>
        %and3A_230 = arith.constant 8388607 : i32
        %and3A_231 = vector.broadcast %and3A_230 : i32 to vector<16xi32>
        %and3A_232 = arith.andi %bitcast_convert_type3A_222, %and3A_231 : vector<16xi32>
        %or3A_233 = arith.constant 1065353216 : i32
        %or3A_234 = vector.broadcast %or3A_233 : i32 to vector<16xi32>
        %or3A_235 = arith.ori %and3A_232, %or3A_234 : vector<16xi32>
        %bitcast_convert_type3A_236 = tpu.bitcast %or3A_235 : vector<16xi32> -> vector<16xf32>
        %sub3A_237 = arith.constant 1.000000e+00 : f32
        %sub3A_238 = vector.broadcast %sub3A_237 : f32 to vector<16xf32>
        %sub3A_239 = arith.subf %bitcast_convert_type3A_236, %sub3A_238 : vector<16xf32>
        %mul3A_240 = arith.constant -0.0251232032 : f32
        %mul3A_241 = vector.broadcast %mul3A_240 : f32 to vector<16xf32>
        %mul3A_242 = arith.mulf %mul3A_241, %sub3A_239 : vector<16xf32>
        %add3A_243 = arith.constant 0.119298235 : f32
        %add3A_244 = vector.broadcast %add3A_243 : f32 to vector<16xf32>
        %add3A_245 = arith.addf %mul3A_242, %add3A_244 : vector<16xf32>
        %mul3A_246 = arith.mulf %add3A_245, %sub3A_239 : vector<16xf32>
        %add3A_247 = arith.constant -0.274623245 : f32
        %add3A_248 = vector.broadcast %add3A_247 : f32 to vector<16xf32>
        %add3A_249 = arith.addf %mul3A_246, %add3A_248 : vector<16xf32>
        %mul3A_250 = arith.mulf %add3A_249, %sub3A_239 : vector<16xf32>
        %add3A_251 = arith.constant 0.455527097 : f32
        %add3A_252 = vector.broadcast %add3A_251 : f32 to vector<16xf32>
        %add3A_253 = arith.addf %mul3A_250, %add3A_252 : vector<16xf32>
        %mul3A_254 = arith.mulf %add3A_253, %sub3A_239 : vector<16xf32>
        %add3A_255 = arith.constant -0.717557847 : f32
        %add3A_256 = vector.broadcast %add3A_255 : f32 to vector<16xf32>
        %add3A_257 = arith.addf %mul3A_254, %add3A_256 : vector<16xf32>
        %mul3A_258 = arith.mulf %add3A_257, %sub3A_239 : vector<16xf32>
        %add3A_259 = arith.constant 1.44247532 : f32
        %add3A_260 = vector.broadcast %add3A_259 : f32 to vector<16xf32>
        %add3A_261 = arith.addf %mul3A_258, %add3A_260 : vector<16xf32>
        %mul3A_262 = arith.mulf %add3A_261, %sub3A_239 : vector<16xf32>
        %add3A_263 = arith.constant 2.12374084E-6 : f32
        %add3A_264 = vector.broadcast %add3A_263 : f32 to vector<16xf32>
        %add3A_265 = arith.addf %mul3A_262, %add3A_264 : vector<16xf32>
        %add3A_266 = arith.addf %convert_element_type3A_229, %add3A_265 : vector<16xf32>
        %xor3A_267 = arith.xori %and3A_216, %bitcast_convert_type3A : vector<16xi32>
        %bitcast_convert_type3A_268 = tpu.bitcast %xor3A_267 : vector<16xi32> -> vector<16xf32>
        %add3A_269 = arith.addf %mul3A_10, %bitcast_convert_type3A_268 : vector<16xf32>
        %mul3A_270 = arith.constant 0.693147182 : f32
        %mul3A_271 = vector.broadcast %mul3A_270 : f32 to vector<16xf32>
        %mul3A_272 = arith.mulf %add3A_269, %mul3A_271 : vector<16xf32>
        %mul3A_273 = arith.mulf %mul3A_272, %add3A_266 : vector<16xf32>
        %exp3A_274 = math.exp %mul3A_273 : vector<16xf32>
        %xor3A_275 = arith.xori %and3A_216, %bitcast_convert_type3A_28 : vector<16xi32>
        %bitcast_convert_type3A_276 = tpu.bitcast %xor3A_275 : vector<16xi32> -> vector<16xf32>
        %add3A_277 = arith.addf %mul3A_23, %bitcast_convert_type3A_276 : vector<16xf32>
        %sub3A_278 = arith.constant 1.000000e+00 : f32
        %sub3A_279 = vector.broadcast %sub3A_278 : f32 to vector<16xf32>
        %sub3A_280 = arith.subf %exp3A_274, %sub3A_279 : vector<16xf32>
        %mul3A_281 = arith.mulf %sub3A_280, %add3A_277 : vector<16xf32>
        %swap3A_282 = arith.index_cast %mul3A_209 : i32 to index
        %swap3A_283 = tpu.vector_load %arg7[%swap3A_282] {strides = array<i32>} : memref<32768xf32, #tpu.memory_space<vmem>>, vector<16xf32>,
        %swap3A_284 = vector.shape_cast %swap3A_283 : vector<16xf32> to vector<16xf32>
        %swap3A_285 = vector.shape_cast %mul3A_281 : vector<16xf32> to vector<16xf32>
        tpu.vector_store %arg7[%swap3A_282], %swap3A_285 {strides = array<i32>} : memref<32768xf32, #tpu.memory_space<vmem>>, vector<16xf32>,
        %mul3A_286 = arith.constant 4 : i32
        %mul3A_287 = arith.muli %scan3A_46, %mul3A_286 : i32
        %add3A_288 = arith.constant 3 : i32
        %add3A_289 = arith.addi %mul3A_287, %add3A_288 : i32
        %mul3A_290 = arith.constant 16 : i32
        %mul3A_291 = arith.muli %add3A_289, %mul3A_290 : i32
        %get3A_292 = arith.index_cast %mul3A_291 : i32 to index
        %get3A_293 = tpu.vector_load %arg6[%get3A_292] {strides = array<i32>} : memref<32768xf32, #tpu.memory_space<vmem>>, vector<16xf32>,
        %get3A_294 = vector.shape_cast %get3A_293 : vector<16xf32> to vector<16xf32>
        %bitcast_convert_type3A_295 = tpu.bitcast %get3A_294 : vector<16xf32> -> vector<16xi32>
        %and3A_296 = arith.constant -2147483648 : i32
        %and3A_297 = vector.broadcast %and3A_296 : i32 to vector<16xi32>
        %and3A_298 = arith.andi %bitcast_convert_type3A_295, %and3A_297 : vector<16xi32>
        %xor3A_299 = arith.xori %bitcast_convert_type3A_295, %and3A_298 : vector<16xi32>
        %bitcast_convert_type3A_300 = tpu.bitcast %xor3A_299 : vector<16xi32> -> vector<16xf32>
        %add3A_301 = arith.constant 1.000000e+00 : f32
        %add3A_302 = vector.broadcast %add3A_301 : f32 to vector<16xf32>
        %add3A_303 = arith.addf %bitcast_convert_type3A_300, %add3A_302 : vector<16xf32>
        %bitcast_convert_type3A_304 = tpu.bitcast %add3A_303 : vector<16xf32> -> vector<16xi32>
        %shift_right_arithmetic3A_305 = arith.constant 23 : i32
        %shift_right_arithmetic3A_306 = vector.broadcast %shift_right_arithmetic3A_305 : i32 to vector<16xi32>
        %shift_right_arithmetic3A_307 = arith.shrsi %bitcast_convert_type3A_304, %shift_right_arithmetic3A_306 : vector<16xi32>
        %sub3A_308 = arith.constant 127 : i32
        %sub3A_309 = vector.broadcast %sub3A_308 : i32 to vector<16xi32>
        %sub3A_310 = arith.subi %shift_right_arithmetic3A_307, %sub3A_309 : vector<16xi32>
        %convert_element_type3A_311 = arith.sitofp %sub3A_310 : vector<16xi32> to vector<16xf32>
        %and3A_312 = arith.constant 8388607 : i32
        %and3A_313 = vector.broadcast %and3A_312 : i32 to vector<16xi32>
        %and3A_314 = arith.andi %bitcast_convert_type3A_304, %and3A_313 : vector<16xi32>
        %or3A_315 = arith.constant 1065353216 : i32
        %or3A_316 = vector.broadcast %or3A_315 : i32 to vector<16xi32>
        %or3A_317 = arith.ori %and3A_314, %or3A_316 : vector<16xi32>
        %bitcast_convert_type3A_318 = tpu.bitcast %or3A_317 : vector<16xi32> -> vector<16xf32>
        %sub3A_319 = arith.constant 1.000000e+00 : f32
        %sub3A_320 = vector.broadcast %sub3A_319 : f32 to vector<16xf32>
        %sub3A_321 = arith.subf %bitcast_convert_type3A_318, %sub3A_320 : vector<16xf32>
        %mul3A_322 = arith.constant -0.0251232032 : f32
        %mul3A_323 = vector.broadcast %mul3A_322 : f32 to vector<16xf32>
        %mul3A_324 = arith.mulf %mul3A_323, %sub3A_321 : vector<16xf32>
        %add3A_325 = arith.constant 0.119298235 : f32
        %add3A_326 = vector.broadcast %add3A_325 : f32 to vector<16xf32>
        %add3A_327 = arith.addf %mul3A_324, %add3A_326 : vector<16xf32>
        %mul3A_328 = arith.mulf %add3A_327, %sub3A_321 : vector<16xf32>
        %add3A_329 = arith.constant -0.274623245 : f32
        %add3A_330 = vector.broadcast %add3A_329 : f32 to vector<16xf32>
        %add3A_331 = arith.addf %mul3A_328, %add3A_330 : vector<16xf32>
        %mul3A_332 = arith.mulf %add3A_331, %sub3A_321 : vector<16xf32>
        %add3A_333 = arith.constant 0.455527097 : f32
        %add3A_334 = vector.broadcast %add3A_333 : f32 to vector<16xf32>
        %add3A_335 = arith.addf %mul3A_332, %add3A_334 : vector<16xf32>
        %mul3A_336 = arith.mulf %add3A_335, %sub3A_321 : vector<16xf32>
        %add3A_337 = arith.constant -0.717557847 : f32
        %add3A_338 = vector.broadcast %add3A_337 : f32 to vector<16xf32>
        %add3A_339 = arith.addf %mul3A_336, %add3A_338 : vector<16xf32>
        %mul3A_340 = arith.mulf %add3A_339, %sub3A_321 : vector<16xf32>
        %add3A_341 = arith.constant 1.44247532 : f32
        %add3A_342 = vector.broadcast %add3A_341 : f32 to vector<16xf32>
        %add3A_343 = arith.addf %mul3A_340, %add3A_342 : vector<16xf32>
        %mul3A_344 = arith.mulf %add3A_343, %sub3A_321 : vector<16xf32>
        %add3A_345 = arith.constant 2.12374084E-6 : f32
        %add3A_346 = vector.broadcast %add3A_345 : f32 to vector<16xf32>
        %add3A_347 = arith.addf %mul3A_344, %add3A_346 : vector<16xf32>
        %add3A_348 = arith.addf %convert_element_type3A_311, %add3A_347 : vector<16xf32>
        %xor3A_349 = arith.xori %and3A_298, %bitcast_convert_type3A : vector<16xi32>
        %bitcast_convert_type3A_350 = tpu.bitcast %xor3A_349 : vector<16xi32> -> vector<16xf32>
        %add3A_351 = arith.addf %mul3A_10, %bitcast_convert_type3A_350 : vector<16xf32>
        %mul3A_352 = arith.constant 0.693147182 : f32
        %mul3A_353 = vector.broadcast %mul3A_352 : f32 to vector<16xf32>
        %mul3A_354 = arith.mulf %add3A_351, %mul3A_353 : vector<16xf32>
        %mul3A_355 = arith.mulf %mul3A_354, %add3A_348 : vector<16xf32>
        %exp3A_356 = math.exp %mul3A_355 : vector<16xf32>
        %xor3A_357 = arith.xori %and3A_298, %bitcast_convert_type3A_28 : vector<16xi32>
        %bitcast_convert_type3A_358 = tpu.bitcast %xor3A_357 : vector<16xi32> -> vector<16xf32>
        %add3A_359 = arith.addf %mul3A_23, %bitcast_convert_type3A_358 : vector<16xf32>
        %sub3A_360 = arith.constant 1.000000e+00 : f32
        %sub3A_361 = vector.broadcast %sub3A_360 : f32 to vector<16xf32>
        %sub3A_362 = arith.subf %exp3A_356, %sub3A_361 : vector<16xf32>
        %mul3A_363 = arith.mulf %sub3A_362, %add3A_359 : vector<16xf32>
        %swap3A_364 = arith.index_cast %mul3A_291 : i32 to index
        %swap3A_365 = tpu.vector_load %arg7[%swap3A_364] {strides = array<i32>} : memref<32768xf32, #tpu.memory_space<vmem>>, vector<16xf32>,
        %swap3A_366 = vector.shape_cast %swap3A_365 : vector<16xf32> to vector<16xf32>
        %swap3A_367 = vector.shape_cast %mul3A_363 : vector<16xf32> to vector<16xf32>
        tpu.vector_store %arg7[%swap3A_364], %swap3A_367 {strides = array<i32>} : memref<32768xf32, #tpu.memory_space<vmem>>, vector<16xf32>,
      }
      %scan3A_45 = arith.constant 512 : i32
      "tpu.region"() ({
        %run_scoped3A = tpu.sem_alloc : memref<!tpu.dma_semaphore, #tpu.memory_space<semaphore_mem>>
        %dma_start3A = tpu.memref_slice %arg4[%add3A_39] : memref<16777216xf32, #tpu.memory_space<hbm>> -> memref<32768xf32, #tpu.memory_space<hbm>>
        %dma_start3A_46 = tpu.memref_slice %arg4[%add3A_39] : memref<16777216xf32, #tpu.memory_space<hbm>> -> memref<32768xf32, #tpu.memory_space<hbm>>
        tpu.enqueue_dma source(%arg7 : memref<32768xf32, #tpu.memory_space<vmem>>) target(%dma_start3A_46 : memref<32768xf32, #tpu.memory_space<hbm>>) target_semaphore(%run_scoped3A : memref<!tpu.dma_semaphore, #tpu.memory_space<semaphore_mem>>)
        %dma_wait3A = tpu.memref_slice %arg4[%add3A_39] : memref<16777216xf32, #tpu.memory_space<hbm>> -> memref<32768xf32, #tpu.memory_space<hbm>>
        %dma_wait3A_47 = tpu.memref_slice %arg4[%add3A_39] : memref<16777216xf32, #tpu.memory_space<hbm>> -> memref<32768xf32, #tpu.memory_space<hbm>>
        tpu.wait_dma2 semaphore(%run_scoped3A : memref<!tpu.dma_semaphore, #tpu.memory_space<semaphore_mem>>) src(%arg7 : memref<32768xf32, #tpu.memory_space<vmem>>) dst(%dma_wait3A_47 : memref<32768xf32, #tpu.memory_space<hbm>>)
        tpu.yield
      }) : () -> ()
    }
    %scan3A_35 = arith.constant 16 : i32
    return
  }
}

</mosaic_0001>

<sc_bundles>
// kernel: kernel.3.cloned.1.call-start
scs
__scs_entry_jumppad:
0x0: {  	(pc) =	sbr.rel $0x88, $3  }
0x1: {  	(tag) =	ssettag $0x0;
	lr =	simm.s32 $0x1  }
0x2: {  	[smem:$0x3F9F] =	sst lr;
	_ =	strace $0xD0000000  }
0x3: {  	_ = 	snop  }
0x4: {  	_ = 	snop  }
0x5: {  	_ = 	snop  }
0x6: {  	_ = 	snop  }
0x7: {  	_ = 	snop  }
__scs_overlays_trampoline_lowered:
0x8: {  	[smem:$0x3FAE] =	sst s0  }
0x9: {  	[smem:$0x3FAF] =	sst s1  }
0xa: {  	[smem:$0x3FB0] =	sst s2  }
0xb: {  	[smem:$0x3FB1] =	sst s3  }
0xc: {  	[smem:$0x3FB2] =	sst s4  }
0xd: {  	[smem:$0x3FB3] =	sst s5  }
0xe: {  	[smem:$0x3FB4] =	sst s6  }
0xf: {  	[smem:$0x3FB5] =	sst s7  }
0x10: {  	[smem:$0x3FB6] =	sst s8  }
0x11: {  	[smem:$0x3FB7] =	sst s9;
	s0 =	simm.s32 @!p0 $0x0  }
0x12: {  	s1 =	sld [smem:$0x3F9D];
	s0 =	simm.s32 @p0 $0x1  }
0x13: {  	[smem:$0x3FB8] =	sst s0;
	s0 =	simm.s32 @!p1 $0x0  }
0x14: {  	s2 =	sld [smem:$0x3F9C];
	s0 =	simm.s32 @p1 $0x1  }
0x15: {  	[smem:$0x3FB9] =	sst s0;
	s0 =	simm.s32 @!p2 $0x0  }
0x16: {  	s3 =	sld [smem:$0x3FDB];
	s0 =	simm.s32 @p2 $0x1  }
0x17: {  	s4 =	simm.s32 $0x1BF5;
	[smem:$0x3FBB] =	sst s0  }
0x18: {  	s0 =	sld [smem:$0x3F9E];
	_ =	swait.ge [sflag:s4], $0x0  }
0x19: {  	s7 =	sld [smem:$0x3F9F]  }
0x1a: {  	s8 =	sadd.s32 $0xFFFFE003, lr  }
0x1b: {  	s9 =	sadd.s32 $0xFFFFFEF7, lr;
	s5 =	simm.s32 $0xFFFFFFFF;
	p2 =	slt.u32 s8, $0xFFFFF086  }
0x1c: {  	p1 =	slt.u32 s9, $0xF7A;
	s5 =	simm.s32 @!p2 $0x0  }
0x1d: {  	s5 =	simm.s32 @p1 $0x1;
	p0 =	seq.s32 s7, s2  }
0x1e: {  	s7 =	smul.u32 @!p0 $0xF7A, s2;
	p2 =	seq.s32 @!p0 s5, $0x0  }
0x1f: {  	s9 =	smul.u32 $0xF7A, s1;
	s8 =	simm.s32 @!p0 $0x1BF5;
	p2 =	por !p2, p0  }
0x20: {  	[sflag:s8] =	ssyncset.s32 @!p0 $0xFFFFF086;
	s6 =	sadd.s32 @!p0 s3, s7;
	s7 =	simm.s32 @!p0 $0x108  }
0x21: {  	s3 =	sadd.s32 s3, s9;
	s6 =	sadd.s32 @!p0 $0x88, s6;
	s7 =	simm.s32 @p2 $0x1082  }
0x22: {  	[simem:s7], [sflag:s8] =	dma.local @!p0 [hbm:s6], $0xF7A  }
0x23: {  	s9 =	sor.u32 $0xD0000000, s2;
	s6 =	simm.s32 $0x108;
	_ =	swait.ge @!p0 [sflag:s8], $0x0  }
0x24: {  	s3 =	sadd.s32 $0x88, s3;
	s6 =	simm.s32 @!p1 $0x1082;
	[sflag:s4] =	ssyncset.s32 $0xFFFFF086  }
0x25: {  	[simem:s6], [sflag:s4] =	dma.local [hbm:s3], $0xF7A  }
0x26: {  	[smem:$0x3F9F] =	sst s1;
	(tag) =	ssettag s2;
	_ =	strace s9  }
0x27: {  	s1 =	sld [smem:$0x3FAF]  }
0x28: {  	s2 =	sld [smem:$0x3FB0]  }
0x29: {  	s4 =	sld [smem:$0x3FB2]  }
0x2a: {  	p0 =	seq.s32 s5, $0x0;
	s5 =	sld [smem:$0x3FB3]  }
0x2b: {  	s6 =	sld [smem:$0x3FB4]  }
0x2c: {  	s7 =	sld [smem:$0x3FB5]  }
0x2d: {  	s3 =	simm.s32 $0x108;
	s8 =	sld [smem:$0x3FB6]  }
0x2e: {  	s3 =	simm.s32 @!p0 $0x1082;
	s9 =	sld [smem:$0x3FB7]  }
0x2f: {  	lr =	sadd.s32 s0, s3;
	s0 =	sld [smem:$0x3FAE]  }
0x30: {  	s3 =	sld [smem:$0x3FB1]  }
0x31: {  	[smem:$0x3FBA] =	sst s10  }
0x32: {  	s10 =	sld [smem:$0x3FB8];
	_ =	sdelay $0x3  }
0x33: {  	p0 =	seq.s32 s10, $0x1;
	s10 =	sld [smem:$0x3FBA];
	_ =	sdelay $0x3  }
0x34: {  	[smem:$0x3FBA] =	sst s10  }
0x35: {  	s10 =	sld [smem:$0x3FB9];
	_ =	sdelay $0x3  }
0x36: {  	p1 =	seq.s32 s10, $0x1;
	s10 =	sld [smem:$0x3FBA];
	_ =	sdelay $0x3  }
0x37: {  	[smem:$0x3FBA] =	sst s10  }
0x38: {  	s10 =	sld [smem:$0x3FBB]  }
0x39: {  	_ = 	snop;
	(pc) =	sbr.ind lr, $3  }
0x3a: {  	_ = 	snop  }
0x3b: {  	_ = 	snop  }
0x3c: {  	p2 =	seq.s32 s10, $0x1;
	s10 =	sld [smem:$0x3FBA]  }
0x3d: {  	_ =	shalt  }
0x3e: {  	_ =	shalt  }
0x3f: {  	_ =	shalt  }
0x40: {  	_ =	shalt  }
0x41: {  	_ =	shalt  }
0x42: {  	_ =	shalt  }
0x43: {  	_ =	shalt  }
0x44: {  	_ =	shalt  }
0x45: {  	_ =	shalt  }
0x46: {  	_ =	shalt  }
0x47: {  	_ =	shalt  }
0x48: {  	_ =	shalt  }
0x49: {  	_ =	shalt  }
0x4a: {  	_ =	shalt  }
0x4b: {  	_ =	shalt  }
0x4c: {  	_ =	shalt  }
0x4d: {  	_ =	shalt  }
0x4e: {  	_ =	shalt  }
0x4f: {  	_ =	shalt  }
0x50: {  	_ =	shalt  }
0x51: {  	_ =	shalt  }
0x52: {  	_ =	shalt  }
0x53: {  	_ =	shalt  }
0x54: {  	_ =	shalt  }
0x55: {  	_ =	shalt  }
0x56: {  	_ =	shalt  }
0x57: {  	_ =	shalt  }
0x58: {  	_ =	shalt  }
0x59: {  	_ =	shalt  }
0x5a: {  	_ =	shalt  }
0x5b: {  	_ =	shalt  }
0x5c: {  	_ =	shalt  }
0x5d: {  	_ =	shalt  }
0x5e: {  	_ =	shalt  }
0x5f: {  	_ =	shalt  }
0x60: {  	_ =	shalt  }
0x61: {  	_ =	shalt  }
0x62: {  	_ =	shalt  }
0x63: {  	_ =	shalt  }
0x64: {  	_ =	shalt  }
0x65: {  	_ =	shalt  }
0x66: {  	_ =	shalt  }
0x67: {  	_ =	shalt  }
0x68: {  	_ =	shalt  }
0x69: {  	_ =	shalt  }
0x6a: {  	_ =	shalt  }
0x6b: {  	_ =	shalt  }
0x6c: {  	_ =	shalt  }
0x6d: {  	_ =	shalt  }
0x6e: {  	_ =	shalt  }
0x6f: {  	_ =	shalt  }
0x70: {  	_ =	shalt  }
0x71: {  	_ =	shalt  }
0x72: {  	_ =	shalt  }
0x73: {  	_ =	shalt  }
0x74: {  	_ =	shalt  }
0x75: {  	_ =	shalt  }
0x76: {  	_ =	shalt  }
0x77: {  	_ =	shalt  }
0x78: {  	_ =	shalt  }
0x79: {  	_ =	shalt  }
0x7a: {  	_ =	shalt  }
0x7b: {  	_ =	shalt  }
0x7c: {  	_ =	shalt  }
0x7d: {  	_ =	shalt  }
0x7e: {  	_ =	shalt  }
0x7f: {  	_ =	shalt  }
0x80: {  	_ =	shalt  }
0x81: {  	_ =	shalt  }
0x82: {  	_ =	shalt  }
0x83: {  	_ =	shalt  }
0x84: {  	_ =	shalt  }
0x85: {  	_ =	shalt  }
0x86: {  	_ =	shalt  }
0x87: {  	_ =	shalt  }
.Lfunc_end0:
.L_simem_size_0:
called_computation.1_lowered:
.L_overlay_start_0:
0x88: {  	s2 =	sld [smem:$0x3FD9]  }
0x89: {  	s3 =	sld [smem:$0x3FFE];
	_ =	sdelay $0x1  }
0x8a: {  	s1 =	srdreg.scid  }
0x8b: {  	s0 =	sand.u32 $0x1, s1  }
0x8c: {  	s17 =	sshll.u32 s0, $0xA;
	s2 =	sadd.s32 s3, s2  }
0x8d: {  	s2 =	sadd.s32 s2, s17  }
0x8e: {  	[smem:$0x3FC6] =	sst s2  }
0x8f: {  	_ = 	snop  }
0x90: {  	s2 =	sld [smem:$0x3FD0];
	(tm) =	ssettm $0x1  }
0x91: {  	s18 =	sld [smem:$0x3FFB];
	_ =	sdelay $0x3  }
0x92: {  	_ =	strace s18  }
0x93: {  	s3 =	sld [smem:$0x3FFC];
	_ =	sdelay $0x3  }
0x94: {  	_ =	strace s3  }
0x95: {  	s3 =	sld [smem:$0x3FFD];
	_ =	sdelay $0x3  }
0x96: {  	_ =	strace s3  }
0x97: {  	_ =	strace $0x8FFFFFFF  }
0x98: {  	s19 =	sld [smem:$0x3FDB];
	_ =	sdelay $0x1  }
0x99: {  	s4 =	simm.s32 $_scs_section_size  }
0x9a: {  	s5 =	simm.s32 $_size__tile_overlayer_lowered;
	s6 =	simm.s32 $_tile_overlayer_lowered  }
0x9b: {  	s22 =	simm.s32 $0x1BFF;
	s21 =	sshll.u32 s6, $0x1;
	s3 =	sadd.s32 s4, s19  }
0x9c: {  	s7 =	simm.s32 $0x0;
	s20 =	sshll.u32 s5, $0x1;
	s5 =	sadd.s32 s21, s3  }
0x9d: {  	[timem:s7], [sflag:s22] =	dma.local [hbm:s5], s20  }
0x9e: {  	_ =	swait.ge [sflag:s22], s20  }
0x9f: {  	s4 =	ssub.s32 $0x0, s20;
	[sflag:s22] =	ssyncset.done $0x0  }
0xa0: {  	[sflag:s22] =	ssyncadd.s32 s4;
	_ =	sdelay $0x1  }
0xa1: {  	s23 =	simm.s32 $0x1B8B  }
0xa2: {  	_ =	swait.ge [sflag:s23], $0x1  }
0xa3: {  	[sflag:s23] =	ssyncset.done $0x0  }
0xa4: {  	s25 =	simm.s32 $0x1B8E;
	s24 =	sld [smem:$0x3FFE];
	[sflag:s23] =	ssyncadd.s32 $0xFFFFFFFF  }
0xa5: {  	s26 =	simm.s32 $execute0_lowered;
	[smem:$0x3FD2] =	sst s25  }
0xa6: {  	s5 =	sshll.u32 s26, $0x1;
	_ =	strace $0x80000049;
	[dreg:$0x1] =	wrdreg $0xFFFFFFFF  }
0xa7: {  	s28 =	simm.s32 $_size_execute0_lowered;
	s3 =	sadd.s32 s3, s5;
	[dreg:$0x0] =	wrdreg $0x0  }
0xa8: {  	s5 =	sshll.u32 s28, $0x1;
	[dreg:$0x2] =	wrdreg s3  }
0xa9: {  	[dreg:$0x3] =	wrdreg s5  }
0xaa: {  	[dreg:$0x4] =	wrdreg $0xC0  }
0xab: {  	_ =	task [dreg:s7], $0x5FFFF  }
0xac: {  	[dreg:$0x1] =	wrdreg $0xFFFFFFFF  }
0xad: {  	[dreg:$0x0] =	wrdreg $0x60  }
0xae: {  	[dreg:$0x2] =	wrdreg s24  }
0xaf: {  	[dreg:$0x3] =	wrdreg s2  }
0xb0: {  	[dreg:$0x4] =	wrdreg $0x9  }
0xb1: {  	_ =	task.clear_ibuf [dreg:s7], $0x5FFFF;
	_ =	strace $0x90000049  }
0xb2: {  	s29 =	simm.s32 $0x9;
	_ =	strace $0x8000004B  }
0xb3: {  	_ =	swait.ge [sflag:s29], $0x1  }
0xb4: {  	[sflag:s29] =	ssyncadd.s32 $0xFFFFFFFF  }
0xb5: {  	_ =	strace $0x9000004B  }
0xb6: {  	_ =	sfence  }
0xb7: {  	s30 =	sld [smem:$0x0];
	_ =	sdelay $0x2  }
0xb8: {  	s31 =	sshll.u32 s1, $0xD;
	s1 =	sshrl.u32 s1, $0x2  }
0xb9: {  	s3 =	sand.u32 $0x4000, s31;
	s1 =	sadd.s32 s1, s30  }
0xba: {  	s0 =	sor.u32 s3, s0;
	s1 =	sshll.u32 s1, $0x11  }
0xbb: {  	s0 =	sor.u32 s1, s0  }
0xbc: {  	s0 =	sadd.s32 $0x8F2B, s0  }
0xbd: {  	[sflag:s0] =	ssyncadd.remote.s32 $0x1  }
0xbe: {  	_ =	sfence.sel $0xFFFF  }
0xbf: {  	[dreg:$0x0] =	wrdreg $0xFFFFFFFF;
	(pc) =	sbr.abs _section_cstart, $3  }
0xc0: {  	[dreg:$0x1] =	wrdreg $0xFFFFFFFF  }
0xc1: {  	_ =	task.clear_ibuf [dreg:s7], $0x2FFFF;
	_ =	strace $0x9FFFFFFF  }
0xc2: {  	(tm) =	ssettm $0x7FFFFFFF  }
0xc3: {  	_ =	shalt  }
tec
execute0_lowered:
.L_overlay_start_1:
0x0: {  	(tag) =	ssettag $0x1  }
0x1: {  	s3 =	rddreg [dreg:$0x0]  }
0x2: {  	s1 =	rddreg [dreg:$0x1]  }
0x3: {  	s0 =	rddreg [dreg:$0x2];
	s2 =	simm.s32 $0x0  }
0x4: {  	s4 =	srdreg.scid;
	s9 =	simm.s32 $0x80;
	s10 =	simm.s32 $0x8080  }
0x5: {  	s11 =	simm.s32 $0x0;
	[smem:$0x7FF] =	sst s2;
	s6 =	sand.u32 $0x1, s4  }
0x6: {  	s4 =	sadd.s32 $0xA00, s3;
	s5 =	sadd.s32 $0xC00, s3;
	s7 =	ssub.s32 $0x2, s6  }
0x7: {  	s3 =	stileid.u32;
	_ =	strace $0x8000004A;
	s8 =	sshrl.u32 s7, $0x1  }
0x8: {  	s31 =	sshll.u32 s3, $0x11;
	s6 =	sshll.u32 s6, $0x10;
	s7 =	ssub.s32 s7, s8  }
0x9: {  	s6 =	sor.u32 s6, s31;
	s8 =	simm.s32 $0x1;
	s7 =	smax.u32 s7, $0x1  }
.LBB2_1:
0xa: {  	[tilespmem:s2], [sflag:$0x1] =	stream.linear.gather [hbm4b:s4+s2], $0x80, $0x38;
	[tilespmem:$0x10080] =	vst v63  }
0xb: {  	_ =	swait.ge [sflag:s8], $0x80  }
0xc: {  	[sflag:s8] =	ssyncset.done $0x0  }
0xd: {  	[sflag:s8] =	ssyncadd.s32 $0xFFFFFF80  }
0xe: {  	v0 =	vld [tilespmem:$0x0];
	_ =	sdelay $0x4  }
0xf: {  	v1 =	vmax.f32 v0, $9.999999740e-05;
	v0 =	vsub.f32 $2.000000000e+00, v0  }
0x10: {  	(erf) = vrcp.f32 v1  }
0x11: {  	(erf) = vrcp.f32 v0;
	_ =	sdelay $0x7  }
0x12: {  	v2 =	vpop (erf)  }
0x13: {  	v3 =	vadd.f32 v0, v1;
	v1 =	vsub.f32 v1, v0;
	v0 =	vpop (erf)  }
0x14: {  	v5 =	vadd.f32 v0, v2  }
0x15: {  	v4 =	vsub.f32 v2, v0  }
0x16: {  	v0 =	vmul.f32 $5.000000000e-01, v3;
	v3 =	vmul.f32 $5.000000000e-01, v5  }
0x17: {  	s12 =	simm.s32 $0x0;
	v1 =	vmul.f32 $5.000000000e-01, v1;
	v2 =	vmul.f32 $5.000000000e-01, v4  }
.LBB2_2:
0x18: {  	s13 =	sshll.u32 s12, $0xC  }
0x19: {  	s13 =	sadd.s32 s6, s13  }
0x1a: {  	s15 =	simm.s32 $0x0;
	s14 =	sadd.s32 s1, s13  }
0x1b: {  	[tilespmem:s9], [sflag:$0x1] =	stream.linear.gather [hbm4b:s14+s15], $0x8000, $0x38;
	[tilespmem:$0x10080] =	vst v63  }
0x1c: {  	_ =	swait.ge [sflag:s8], $0x8000  }
0x1d: {  	[sflag:s8] =	ssyncset.done $0x0  }
0x1e: {  	s14 =	simm.s32 $0x0;
	[sflag:s8] =	ssyncadd.s32 $0xFFFF8000  }
0x1f: {  	v4 =	vld [tilespmem:s14+$0xB0]  }
0x20: {  	v5 =	vld [tilespmem:s14+$0xA0];
	_ =	sdelay $0x1  }
0x21: {  	v6 =	vld [tilespmem:s14+$0x90];
	_ =	sdelay $0x1  }
0x22: {  	v7 =	vand.u32 $0x7FFFFFFF, v4  }
0x23: {  	v8 =	vand.u32 $0x7FFFFFFF, v5;
	v7 =	vadd.f32 $1.000000000e+00, v7  }
0x24: {  	v8 =	vadd.f32 $1.000000000e+00, v8  }
0x25: {  	v9 =	vand.u32 $0x7FFFFFFF, v6;
	v10 =	vand.u32 $0x7FFFFF, v7  }
0x26: {  	v9 =	vadd.f32 $1.000000000e+00, v9;
	v11 =	vand.u32 $0x7FFFFF, v8;
	v10 =	vor.u32 $0x3F800000, v10  }
0x27: {  	v11 =	vor.u32 $0x3F800000, v11;
	v10 =	vadd.f32 $-1.000000000e+00, v10  }
0x28: {  	v12 =	vand.u32 $0x7FFFFF, v9;
	v11 =	vadd.f32 $-1.000000000e+00, v11  }
0x29: {  	v14 =	vld [tilespmem:s14+$0x80];
	v12 =	vor.u32 $0x3F800000, v12;
	v13 =	vmul.f32 $2.512320320e-02, v10  }
0x2a: {  	v12 =	vadd.f32 $-1.000000000e+00, v12;
	v15 =	vmul.f32 $2.512320320e-02, v11  }
0x2b: {  	v13 =	vsub.f32 $1.192982350e-01, v13  }
0x2c: {  	v16 =	vmul.f32 $2.512320320e-02, v12;
	v15 =	vsub.f32 $1.192982350e-01, v15  }
0x2d: {  	v4 =	vand.u32 $0x80000000, v4;
	v13 =	vmul.f32 v13, v10  }
0x2e: {  	v18 =	vand.u32 $0x7FFFFFFF, v14;
	v16 =	vsub.f32 $1.192982350e-01, v16;
	v15 =	vmul.f32 v15, v11  }
0x2f: {  	v5 =	vand.u32 $0x80000000, v5;
	v6 =	vand.u32 $0x80000000, v6;
	v13 =	vadd.f32 $-2.746232450e-01, v13  }
0x30: {  	v17 =	vxor.u32 v1, v4;
	v16 =	vmul.f32 v16, v12;
	v15 =	vadd.f32 $-2.746232450e-01, v15  }
0x31: {  	v18 =	vadd.f32 $1.000000000e+00, v18;
	v20 =	vxor.u32 v1, v5;
	v13 =	vmul.f32 v13, v10  }
0x32: {  	v22 =	vxor.u32 v1, v6;
	v16 =	vadd.f32 $-2.746232450e-01, v16;
	v15 =	vmul.f32 v15, v11  }
0x33: {  	v5 =	vxor.u32 v3, v5;
	v20 =	vadd.f32 v20, v0;
	v13 =	vadd.f32 $4.555270970e-01, v13  }
0x34: {  	v17 =	vadd.f32 v17, v0;
	v16 =	vmul.f32 v16, v12;
	v15 =	vadd.f32 $4.555270970e-01, v15  }
0x35: {  	v22 =	vadd.f32 v22, v0;
	v19 =	vand.u32 $0x7FFFFF, v18;
	v13 =	vmul.f32 v13, v10  }
0x36: {  	v19 =	vor.u32 $0x3F800000, v19;
	v16 =	vadd.f32 $4.555270970e-01, v16;
	v15 =	vmul.f32 v15, v11  }
0x37: {  	v4 =	vxor.u32 v3, v4;
	v19 =	vadd.f32 $-1.000000000e+00, v19;
	v13 =	vadd.f32 $-7.175578470e-01, v13  }
0x38: {  	v7 =	vshra.s32 v7, $0x17;
	v16 =	vmul.f32 v16, v12;
	v15 =	vadd.f32 $-7.175578470e-01, v15  }
0x39: {  	v8 =	vshra.s32 v8, $0x17;
	v21 =	vmul.f32 $2.512320320e-02, v19;
	v13 =	vmul.f32 v13, v10  }
0x3a: {  	v9 =	vshra.s32 v9, $0x17;
	v16 =	vadd.f32 $-7.175578470e-01, v16;
	v15 =	vmul.f32 v15, v11  }
0x3b: {  	v7 =	vadd.s32 $0xFFFFFF81, v7;
	v21 =	vsub.f32 $1.192982350e-01, v21;
	v13 =	vadd.f32 $1.442475320e+00, v13  }
0x3c: {  	v17 =	vmul.f32 $6.931471820e-01, v17;
	v16 =	vmul.f32 v16, v12;
	v15 =	vadd.f32 $1.442475320e+00, v15  }
0x3d: {  	v9 =	vadd.s32 $0xFFFFFF81, v9;
	v21 =	vmul.f32 v21, v19;
	v10 =	vmul.f32 v13, v10  }
0x3e: {  	v8 =	vadd.s32 $0xFFFFFF81, v8;
	v13 =	vadd.f32 $1.442475320e+00, v16;
	v11 =	vmul.f32 v15, v11  }
0x3f: {  	v7 =	vcvt.s32.f32 v7;
	v21 =	vadd.f32 $-2.746232450e-01, v21;
	v10 =	vadd.f32 $2.123740840e-06, v10  }
0x40: {  	v8 =	vcvt.s32.f32 v8;
	v12 =	vmul.f32 v13, v12;
	v11 =	vadd.f32 $2.123740840e-06, v11  }
0x41: {  	v9 =	vcvt.s32.f32 v9;
	v13 =	vmul.f32 v21, v19;
	v7 =	vadd.f32 v7, v10  }
0x42: {  	v10 =	vadd.f32 $2.123740840e-06, v12;
	v12 =	vmul.f32 $6.931471820e-01, v20;
	v8 =	vadd.f32 v8, v11  }
0x43: {  	v15 =	vshra.s32 v18, $0x17;
	v11 =	vadd.f32 $4.555270970e-01, v13;
	v13 =	vmul.f32 v7, v17  }
0x44: {  	s15 =	simm.s32 $0x40;
	v7 =	vadd.f32 v9, v10;
	v9 =	vmul.f32 $6.931471820e-01, v22;
	v8 =	vmul.f32 v8, v12  }
0x45: {  	v10 =	vand.u32 $0x80000000, v14;
	v12 =	vadd.s32 $0xFFFFFF81, v15;
	v14 =	vld [tilespmem:s15+$0xB0];
	v11 =	vmul.f32 v11, v19  }
0x46: {  	v16 =	vld [tilespmem:s15+$0x90];
	v17 =	vadd.f32 v4, v2;
	v7 =	vmul.f32 v7, v9;
	v8 =	vmul.f32 $1.442695020e+00, v8  }
0x47: {  	v15 =	vxor.u32 v1, v10;
	v10 =	vxor.u32 v3, v10;
	v9 =	vld [tilespmem:s15+$0xA0];
	v13 =	vmul.f32 $1.442695020e+00, v13  }
0x48: {  	v15 =	vadd.f32 v15, v0;
	v7 =	vmul.f32 $1.442695020e+00, v7;
	(erf) = vpow2.f32 v8  }
0x49: {  	v8 =	vadd.f32 v10, v2;
	v10 =	vadd.f32 v5, v2;
	v5 =	vxor.u32 v3, v6  }
0x4a: {  	v4 =	vand.u32 $0x80000000, v14;
	(erf) = vpow2.f32 v7;
	v7 =	vcvt.s32.f32 v12  }
0x4b: {  	v12 =	vadd.f32 v5, v2;
	v5 =	vand.u32 $0x7FFFFFFF, v14;
	v14 =	vand.u32 $0x7FFFFFFF, v16  }
0x4c: {  	v46 =	vxor.u32 v1, v4;
	v6 =	vand.u32 $0x7FFFFFFF, v9;
	v45 =	vadd.f32 $1.000000000e+00, v5  }
0x4d: {  	v5 =	vand.u32 $0x80000000, v9;
	v9 =	vadd.f32 $-7.175578470e-01, v11;
	v6 =	vadd.f32 $1.000000000e+00, v6  }
0x4e: {  	v15 =	vmul.f32 $6.931471820e-01, v15;
	v11 =	vadd.f32 $1.000000000e+00, v14;
	v20 =	vadd.f32 v46, v0  }
0x4f: {  	v18 =	vand.u32 $0x7FFFFF, v45;
	v47 =	vshra.s32 v6, $0x17;
	v6 =	vand.u32 $0x7FFFFF, v6  }
0x50: {  	v24 =	vand.u32 $0x7FFFFF, v11;
	v18 =	vor.u32 $0x3F800000, v18;
	v48 =	vor.u32 $0x3F800000, v6  }
0x51: {  	v24 =	vor.u32 $0x3F800000, v24;
	v18 =	vadd.f32 $-1.000000000e+00, v18;
	v22 =	vadd.f32 $-1.000000000e+00, v48  }
0x52: {  	v28 =	vxor.u32 v1, v5;
	v9 =	vmul.f32 v9, v19;
	v6 =	vld [tilespmem:s15+$0x80];
	v24 =	vadd.f32 $-1.000000000e+00, v24  }
0x53: {  	v14 =	vshra.s32 v45, $0x17;
	v27 =	vmul.f32 $2.512320320e-02, v18;
	v26 =	vmul.f32 $2.512320320e-02, v22  }
0x54: {  	v28 =	vadd.f32 v28, v0;
	v9 =	vadd.f32 $1.442475320e+00, v9;
	v23 =	vpop (erf);
	v29 =	vmul.f32 $2.512320320e-02, v24  }
0x55: {  	v11 =	vshra.s32 v11, $0x17;
	v25 =	vpop (erf);
	v27 =	vsub.f32 $1.192982350e-01, v27;
	v26 =	vsub.f32 $1.192982350e-01, v26  }
0x56: {  	v9 =	vmul.f32 v9, v19;
	v49 =	vsub.f32 $1.192982350e-01, v29;
	v25 =	vadd.f32 $-1.000000000e+00, v25  }
0x57: {  	v30 =	vand.u32 $0x7FFFFFFF, v6;
	v27 =	vmul.f32 v27, v18;
	v26 =	vmul.f32 v26, v22  }
0x58: {  	v9 =	vadd.f32 $2.123740840e-06, v9;
	v50 =	vadd.f32 $1.000000000e+00, v30;
	v25 =	vmul.f32 v25, v12  }
0x59: {  	v12 =	vmul.f32 v49, v24;
	v52 =	vadd.f32 $-2.746232450e-01, v27;
	v51 =	vadd.f32 $-2.746232450e-01, v26  }
0x5a: {  	v20 =	vmul.f32 $6.931471820e-01, v20;
	v7 =	vadd.f32 v7, v9;
	v53 =	vand.u32 $0x7FFFFF, v50  }
0x5b: {  	v9 =	vadd.f32 $-2.746232450e-01, v12;
	v54 =	vmul.f32 v52, v18;
	v12 =	vmul.f32 v51, v22  }
0x5c: {  	v14 =	vadd.s32 $0xFFFFFF81, v14;
	v15 =	vmul.f32 v7, v15;
	v55 =	vor.u32 $0x3F800000, v53  }
0x5d: {  	v9 =	vmul.f32 v9, v24;
	v19 =	vadd.f32 $4.555270970e-01, v54;
	v12 =	vadd.f32 $4.555270970e-01, v12  }
0x5e: {  	v11 =	vadd.s32 $0xFFFFFF81, v11;
	v7 =	vadd.f32 $-1.000000000e+00, v55;
	v15 =	vmul.f32 $1.442695020e+00, v15  }
0x5f: {  	v56 =	vadd.f32 $4.555270970e-01, v9;
	v9 =	vmul.f32 v12, v22;
	v12 =	vmul.f32 v19, v18  }
0x60: {  	v11 =	vcvt.s32.f32 v11;
	v21 =	vadd.s32 $0xFFFFFF81, v47;
	(erf) = vpow2.f32 v15  }
0x61: {  	v57 =	vmul.f32 $2.512320320e-02, v7;
	(erf) = vpow2.f32 v13;
	v12 =	vadd.f32 $-7.175578470e-01, v12  }
0x62: {  	v15 =	vadd.f32 $-7.175578470e-01, v9;
	v9 =	vand.u32 $0x80000000, v16;
	v16 =	vmul.f32 v56, v24  }
0x63: {  	v14 =	vcvt.s32.f32 v14;
	v13 =	vsub.f32 $1.192982350e-01, v57;
	v12 =	vmul.f32 v12, v18  }
0x64: {  	v62 =	vmul.f32 $6.931471820e-01, v28;
	v15 =	vmul.f32 v15, v22;
	v16 =	vadd.f32 $-7.175578470e-01, v16  }
0x65: {  	v23 =	vadd.f32 $-1.000000000e+00, v23;
	v13 =	vmul.f32 v13, v7;
	v59 =	vadd.f32 $1.442475320e+00, v12  }
0x66: {  	v21 =	vcvt.s32.f32 v21;
	v15 =	vadd.f32 $1.442475320e+00, v15;
	v16 =	vmul.f32 v16, v24  }
0x67: {  	v10 =	vmul.f32 v23, v10;
	v13 =	vadd.f32 $-2.746232450e-01, v13;
	v18 =	vmul.f32 v59, v18  }
0x68: {  	v58 =	vxor.u32 v1, v9;
	v15 =	vmul.f32 v15, v22;
	v16 =	vadd.f32 $1.442475320e+00, v16  }
0x69: {  	v19 =	vadd.f32 v58, v0;
	v13 =	vmul.f32 v13, v7;
	v60 =	vpop (erf);
	v18 =	vadd.f32 $2.123740840e-06, v18  }
0x6a: {  	v61 =	vpop (erf);
	v22 =	vadd.f32 $-1.000000000e+00, v60;
	v15 =	vadd.f32 $2.123740840e-06, v15;
	v16 =	vmul.f32 v16, v24  }
0x6b: {  	v12 =	vshra.s32 v50, $0x17;
	v63 =	vadd.f32 $-1.000000000e+00, v61;
	v14 =	vadd.f32 v14, v18  }
0x6c: {  	[tilespmem:s14+$0x80A0] =	vst v10;
	v22 =	vmul.f32 v22, v8;
	v16 =	vadd.f32 $2.123740840e-06, v16;
	v21 =	vadd.f32 v21, v15  }
0x6d: {  	[tilespmem:s14+$0x8090] =	vst v25;
	v13 =	vadd.f32 $4.555270970e-01, v13;
	v8 =	vmul.f32 v63, v17;
	v15 =	vmul.f32 $6.931471820e-01, v19  }
0x6e: {  	s16 =	simm.s32 $0x200;
	[tilespmem:s14+$0x8080] =	vst v22;
	v10 =	vmul.f32 v14, v20;
	v11 =	vadd.f32 v11, v16;
	v14 =	vmul.f32 v21, v62  }
.LBB2_3:
0x6f: {  	s17 =	sshra.s32 s16, $0x2;
	p0 =	sne.s32 s16, $0x1FF00;
	s16 =	sadd.s32 $0x100, s16;
	v6 =	vand.u32 $0x80000000, v6;
	v12 =	vadd.s32 $0xFFFFFF81, v12;
	v5 =	vxor.u32 v3, v5;
	[tilespmem:s14+$0x80B0] =	vst v8  }
0x70: {  	s14 =	smov.u32 s15;
	v16 =	vld [tilespmem:s17+$0xB0];
	v8 =	vxor.u32 v1, v6;
	v11 =	vmul.f32 v11, v15;
	v14 =	vmul.f32 $1.442695020e+00, v14;
	s15 =	smov.u32 s17  }
0x71: {  	v4 =	vxor.u32 v3, v4;
	v18 =	vxor.u32 v3, v6;
	v15 =	vld [tilespmem:s15+$0xA0];
	v17 =	vadd.f32 v8, v0  }
0x72: {  	v8 =	vadd.f32 v4, v2;
	v19 =	vld [tilespmem:s15+$0x90];
	v20 =	vmul.f32 $1.442695020e+00, v11;
	(erf) = vpow2.f32 v14  }
0x73: {  	v11 =	vadd.f32 v18, v2;
	v14 =	vadd.f32 v5, v2;
	v6 =	vld [tilespmem:s15+$0x80]  }
0x74: {  	v5 =	vxor.u32 v3, v9;
	v17 =	vmul.f32 $6.931471820e-01, v17;
	(erf) = vpow2.f32 v20  }
0x75: {  	v9 =	vcvt.s32.f32 v12;
	v12 =	vadd.f32 v5, v2;
	v4 =	vand.u32 $0x80000000, v16  }
0x76: {  	v13 =	vmul.f32 v13, v7;
	v5 =	vand.u32 $0x7FFFFFFF, v16;
	v18 =	vand.u32 $0x7FFFFFFF, v15  }
0x77: {  	v20 =	vadd.f32 $1.000000000e+00, v5;
	v21 =	vxor.u32 v1, v4;
	v16 =	vand.u32 $0x7FFFFFFF, v19  }
0x78: {  	v13 =	vadd.f32 $-7.175578470e-01, v13;
	v5 =	vand.u32 $0x80000000, v15;
	v15 =	vadd.f32 $1.000000000e+00, v18  }
0x79: {  	v16 =	vadd.f32 $1.000000000e+00, v16;
	v18 =	vshra.s32 v20, $0x17;
	v20 =	vand.u32 $0x7FFFFF, v20  }
0x7a: {  	v22 =	vshra.s32 v15, $0x17;
	v15 =	vand.u32 $0x7FFFFF, v15;
	v20 =	vor.u32 $0x3F800000, v20  }
0x7b: {  	v13 =	vmul.f32 v13, v7;
	v18 =	vadd.s32 $0xFFFFFF81, v18;
	v15 =	vor.u32 $0x3F800000, v15;
	v23 =	vpop (erf)  }
0x7c: {  	v24 =	vand.u32 $0x7FFFFF, v16;
	v20 =	vadd.f32 $-1.000000000e+00, v20;
	v15 =	vadd.f32 $-1.000000000e+00, v15  }
0x7d: {  	v16 =	vshra.s32 v16, $0x17;
	v24 =	vor.u32 $0x3F800000, v24;
	v23 =	vadd.f32 $-1.000000000e+00, v23;
	v25 =	vpop (erf)  }
0x7e: {  	v24 =	vadd.f32 $-1.000000000e+00, v24;
	v27 =	vmul.f32 $2.512320320e-02, v20;
	v26 =	vmul.f32 $2.512320320e-02, v15  }
0x7f: {  	v13 =	vadd.f32 $1.442475320e+00, v13;
	v28 =	vxor.u32 v1, v5;
	v25 =	vadd.f32 $-1.000000000e+00, v25  }
0x80: {  	v29 =	vmul.f32 $2.512320320e-02, v24;
	v27 =	vsub.f32 $1.192982350e-01, v27;
	v26 =	vsub.f32 $1.192982350e-01, v26  }
0x81: {  	v7 =	vmul.f32 v13, v7;
	v30 =	vand.u32 $0x7FFFFFFF, v6;
	v28 =	vadd.f32 v28, v0  }
0x82: {  	v13 =	vsub.f32 $1.192982350e-01, v29;
	v27 =	vmul.f32 v27, v20;
	v26 =	vmul.f32 v26, v15  }
0x83: {  	v7 =	vadd.f32 $2.123740840e-06, v7;
	v29 =	vadd.f32 $1.000000000e+00, v30;
	v12 =	vmul.f32 v25, v12  }
0x84: {  	v13 =	vmul.f32 v13, v24;
	v25 =	vadd.f32 $-2.746232450e-01, v26;
	v26 =	vadd.f32 $-2.746232450e-01, v27  }
0x85: {  	v16 =	vadd.s32 $0xFFFFFF81, v16;
	v7 =	vadd.f32 v9, v7;
	v27 =	vand.u32 $0x7FFFFF, v29;
	[tilespmem:s14+$0x8090] =	vst v12  }
0x86: {  	v9 =	vadd.f32 $-2.746232450e-01, v13;
	v12 =	vmul.f32 v25, v15;
	v13 =	vmul.f32 v26, v20  }
0x87: {  	v17 =	vmul.f32 v7, v17;
	v14 =	vmul.f32 v23, v14;
	v25 =	vor.u32 $0x3F800000, v27  }
0x88: {  	v9 =	vmul.f32 v9, v24;
	v12 =	vadd.f32 $4.555270970e-01, v12;
	v13 =	vadd.f32 $4.555270970e-01, v13  }
0x89: {  	v10 =	vmul.f32 $1.442695020e+00, v10;
	v17 =	vmul.f32 $1.442695020e+00, v17;
	v7 =	vadd.f32 $-1.000000000e+00, v25;
	[tilespmem:s14+$0x80A0] =	vst v14  }
0x8a: {  	v14 =	vadd.f32 $4.555270970e-01, v9;
	v9 =	vmul.f32 v12, v15;
	v12 =	vmul.f32 v13, v20  }
0x8b: {  	v21 =	vadd.f32 v21, v0;
	v13 =	vmul.f32 $2.512320320e-02, v7;
	(erf) = vpow2.f32 v17  }
0x8c: {  	v17 =	vadd.f32 $-7.175578470e-01, v9;
	v12 =	vadd.f32 $-7.175578470e-01, v12;
	(erf) = vpow2.f32 v10  }
0x8d: {  	v9 =	vand.u32 $0x80000000, v19;
	v10 =	vsub.f32 $1.192982350e-01, v13;
	v13 =	vmul.f32 v14, v24  }
0x8e: {  	v14 =	vxor.u32 v1, v9;
	v17 =	vmul.f32 v17, v15;
	v12 =	vmul.f32 v12, v20  }
0x8f: {  	v14 =	vadd.f32 v14, v0;
	v10 =	vmul.f32 v10, v7;
	v13 =	vadd.f32 $-7.175578470e-01, v13  }
0x90: {  	v21 =	vmul.f32 $6.931471820e-01, v21;
	v17 =	vadd.f32 $1.442475320e+00, v17;
	v19 =	vadd.f32 $1.442475320e+00, v12  }
0x91: {  	v16 =	vcvt.s32.f32 v16;
	v10 =	vadd.f32 $-2.746232450e-01, v10;
	v13 =	vmul.f32 v13, v24  }
0x92: {  	v12 =	vshra.s32 v29, $0x17;
	v15 =	vmul.f32 v17, v15;
	v17 =	vmul.f32 v19, v20  }
0x93: {  	v19 =	vadd.s32 $0xFFFFFF81, v22;
	v10 =	vmul.f32 v10, v7;
	v13 =	vadd.f32 $1.442475320e+00, v13  }
0x94: {  	v18 =	vcvt.s32.f32 v18;
	v15 =	vadd.f32 $2.123740840e-06, v15;
	v17 =	vadd.f32 $2.123740840e-06, v17;
	v20 =	vpop (erf)  }
.Ltmp0:
0x95: {  	v19 =	vcvt.s32.f32 v19;
	v13 =	vmul.f32 v13, v24;
	v20 =	vadd.f32 $-1.000000000e+00, v20;
	v22 =	vpop (erf);
	(pc) =	sbr.rel @p0 .LBB2_3-.Ltmp0, $4  }
0x96: {  	v23 =	vmul.f32 $6.931471820e-01, v28;
	v17 =	vadd.f32 v18, v17;
	v18 =	vadd.f32 $-1.000000000e+00, v22  }
0x97: {  	v19 =	vadd.f32 v19, v15;
	v22 =	vadd.f32 $2.123740840e-06, v13;
	v20 =	vmul.f32 v20, v11  }
0x98: {  	v13 =	vadd.f32 $4.555270970e-01, v10;
	v10 =	vmul.f32 v17, v21;
	v8 =	vmul.f32 v18, v8  }
0x99: {  	v15 =	vmul.f32 $6.931471820e-01, v14;
	v14 =	vmul.f32 v19, v23;
	v11 =	vadd.f32 v16, v22;
	[tilespmem:s14+$0x8080] =	vst v20  }
0x9a: {  	v13 =	vmul.f32 v13, v7;
	_ =	sdelay $0x1  }
0x9b: {  	v13 =	vadd.f32 $-7.175578470e-01, v13;
	_ =	sdelay $0x1  }
0x9c: {  	v13 =	vmul.f32 v13, v7;
	_ =	sdelay $0x1  }
0x9d: {  	v13 =	vadd.f32 $1.442475320e+00, v13;
	_ =	sdelay $0x1  }
0x9e: {  	v6 =	vand.u32 $0x80000000, v6;
	v55 =	vmul.f32 v13, v7  }
0x9f: {  	v12 =	vadd.s32 $0xFFFFFF81, v12;
	v56 =	vxor.u32 v1, v6  }
0xa0: {  	v12 =	vcvt.s32.f32 v12;
	v13 =	vadd.f32 v56, v0;
	v7 =	vadd.f32 $2.123740840e-06, v55;
	_ =	sdelay $0x1  }
0xa1: {  	v13 =	vmul.f32 $6.931471820e-01, v13;
	v7 =	vadd.f32 v12, v7  }
0xa2: {  	v11 =	vmul.f32 v11, v15  }
0xa3: {  	v57 =	vmul.f32 $1.442695020e+00, v14;
	v7 =	vmul.f32 v7, v13  }
0xa4: {  	v11 =	vmul.f32 $1.442695020e+00, v11  }
0xa5: {  	(erf) = vpow2.f32 v57;
	v7 =	vmul.f32 $1.442695020e+00, v7  }
0xa6: {  	v10 =	vmul.f32 $1.442695020e+00, v10;
	(erf) = vpow2.f32 v11  }
0xa7: {  	(erf) = vpow2.f32 v7  }
0xa8: {  	(erf) = vpow2.f32 v10;
	_ =	sdelay $0x5  }
0xa9: {  	v5 =	vxor.u32 v3, v5;
	v9 =	vxor.u32 v3, v9;
	v58 =	vpop (erf)  }
0xaa: {  	v4 =	vxor.u32 v3, v4;
	v5 =	vadd.f32 v5, v2;
	v59 =	vpop (erf);
	v7 =	vadd.f32 $-1.000000000e+00, v58  }
0xab: {  	v6 =	vxor.u32 v3, v6;
	v9 =	vadd.f32 v9, v2;
	v10 =	vadd.f32 $-1.000000000e+00, v59;
	v60 =	vpop (erf)  }
0xac: {  	v6 =	vadd.f32 v6, v2;
	v5 =	vmul.f32 v7, v5;
	v61 =	vadd.f32 $-1.000000000e+00, v60;
	v62 =	vpop (erf)  }
0xad: {  	[tilespmem:s14+$0x80B0] =	vst v8;
	v4 =	vadd.f32 v4, v2;
	v9 =	vmul.f32 v10, v9;
	v63 =	vadd.f32 $-1.000000000e+00, v62  }
0xae: {  	[tilespmem:s15+$0x80A0] =	vst v5;
	v6 =	vmul.f32 v61, v6  }
0xaf: {  	s12 =	sadd.s32 $0x1, s12;
	[tilespmem:s15+$0x8090] =	vst v9;
	v4 =	vmul.f32 v63, v4  }
0xb0: {  	p0 =	sne.s32 s12, $0x10;
	[tilespmem:s15+$0x8080] =	vst v6  }
.Ltmp1:
0xb1: {  	s13 =	sadd.s32 s5, s13;
	[tilespmem:s15+$0x80B0] =	vst v4;
	(pc) =	sbr.rel @p0 .LBB2_2-.Ltmp1, $4  }
0xb2: {  	[hbm4b:s13+s2] =	stream.linear.scatter [tilespmem:s10], [sflag:$0x1], $0x8000, $0x38;
	[tilespmem:$0x10080] =	vst v63  }
0xb3: {  	_ =	swait.ge [sflag:s8], $0x8000  }
0xb4: {  	[sflag:s8] =	ssyncset.done $0x0  }
0xb5: {  	[sflag:s8] =	ssyncadd.s32 $0xFFFF8000  }
0xb6: {  	s11 =	sadd.s32 $0x1, s11  }
0xb7: {  	p0 =	sne.s32 s11, s7  }
.Ltmp2:
0xb8: {  	_ = 	snop;
	(pc) =	sbr.rel @p0 .LBB2_1-.Ltmp2, $1  }
0xb9: {  	_ =	sdelay $0x3  }
0xba: {  	_ =	sfence.sel $0x180000  }
0xbb: {  	[bflag:$0x0] =	sbarrier.arrive $0xFFFF  }
0xbc: {  	p0 =	sne.s32 s3, $0x0;
	_ =	strace $0x9000004A  }
0xbd: {  	s0 =	sadd.s32 @!p0 $0x100000, s0;
	[bflag:$0x2] =	sbarrier.arrive $0xFFFF  }
0xbe: {  	[sflag:s0] =	ssyncadd.tile.s32 @!p0 $0x1;
	_ =	shalt  }
.Lfunc_end2:
_tile_overlayer_lowered:
.L_overlay_start_2:
0xbf: {  	(tag) =	ssettag $0x2  }
0xc0: {  	s0 =	rddreg [dreg:$0x0];
	s2 =	stileid.u32  }
0xc1: {  	s1 =	rddreg [dreg:$0x1];
	p0 =	sne.s32 s2, $0x0  }
0xc2: {  	s3 =	rddreg [dreg:$0x2];
	[bflag:$0x3] =	sbarrier.arrive $0xFFFF;
	s2 =	simm.s32 @!p0 $0x1C01  }
0xc3: {  	[timem:s3], [sflag:s2] =	dma.local @!p0 [hbm:s0], s1  }
0xc4: {  	s0 =	simm.s32 @!p0 $0x1  }
0xc5: {  	_ =	swait.ge @!p0 [sflag:s0], s1  }
0xc6: {  	s1 =	ssub.s32 @!p0 $0x0, s1;
	[sflag:s0] =	ssyncset.done @!p0 $0x0  }
0xc7: {  	[sflag:s0] =	ssyncadd.s32 @!p0 s1  }
0xc8: {  	[bflag:$0x3] =	sbarrier.arrive $0xFFFF  }
0xc9: {  	_ =	shalt  }

// kernel: sparse-core-data-format-call.cloned.1.call-start
scs
called_computation_lowered:
.L_overlay_start_0:
0x0: {  	s2 =	sld [smem:$0x3FD9]  }
0x1: {  	s3 =	sld [smem:$0x3FFE];
	_ =	sdelay $0x1  }
0x2: {  	s1 =	srdreg.scid  }
0x3: {  	s0 =	sand.u32 $0x1, s1  }
0x4: {  	s19 =	sshll.u32 s0, $0xA;
	s2 =	sadd.s32 s3, s2  }
0x5: {  	s2 =	sadd.s32 s2, s19  }
0x6: {  	[smem:$0x3FC6] =	sst s2  }
0x7: {  	_ = 	snop  }
0x8: {  	s2 =	sld [smem:$0x3FC9]  }
0x9: {  	s20 =	sld [smem:$0x3FD0];
	(tm) =	ssettm $0x1  }
0xa: {  	s4 =	sld [smem:$0x3FFB];
	_ =	sdelay $0x3  }
0xb: {  	_ =	strace s4  }
0xc: {  	s4 =	sld [smem:$0x3FFC];
	_ =	sdelay $0x3  }
0xd: {  	_ =	strace s4  }
0xe: {  	s4 =	sld [smem:$0x3FFD];
	_ =	sdelay $0x3  }
0xf: {  	_ =	strace s4  }
0x10: {  	_ =	strace $0x8FFFFFFF  }
0x11: {  	s21 =	sld [smem:$0x3FDB];
	_ =	sdelay $0x1  }
0x12: {  	s5 =	simm.s32 $_scs_section_size  }
0x13: {  	s6 =	simm.s32 $_size__tile_overlayer_lowered;
	s7 =	simm.s32 $_tile_overlayer_lowered  }
0x14: {  	s24 =	simm.s32 $0x1BFF;
	s23 =	sshll.u32 s7, $0x1;
	s4 =	sadd.s32 s5, s21  }
0x15: {  	s8 =	simm.s32 $0x0;
	s22 =	sshll.u32 s6, $0x1;
	s6 =	sadd.s32 s23, s4  }
0x16: {  	[timem:s8], [sflag:s24] =	dma.local [hbm:s6], s22  }
0x17: {  	_ =	swait.ge [sflag:s24], s22  }
0x18: {  	s5 =	ssub.s32 $0x0, s22;
	[sflag:s24] =	ssyncset.done $0x0  }
0x19: {  	[sflag:s24] =	ssyncadd.s32 s5;
	_ =	sdelay $0x1  }
0x1a: {  	s25 =	simm.s32 $0x1B8B  }
0x1b: {  	_ =	swait.ge [sflag:s25], $0x1  }
0x1c: {  	[sflag:s25] =	ssyncset.done $0x0  }
0x1d: {  	s26 =	simm.s32 $0x1B8E;
	[sflag:s25] =	ssyncadd.s32 $0xFFFFFFFF  }
0x1e: {  	s27 =	simm.s32 $execute0_lowered;
	[smem:$0x3FD2] =	sst s26  }
0x1f: {  	s5 =	sshll.u32 s27, $0x1;
	_ =	strace $0x80000046;
	[dreg:$0x1] =	wrdreg $0xFFFFFFFF  }
0x20: {  	s28 =	simm.s32 $_size_execute0_lowered;
	s4 =	sadd.s32 s4, s5;
	[dreg:$0x0] =	wrdreg $0x0  }
0x21: {  	s5 =	sshll.u32 s28, $0x1;
	[dreg:$0x2] =	wrdreg s4  }
0x22: {  	[dreg:$0x3] =	wrdreg s5  }
0x23: {  	[dreg:$0x4] =	wrdreg $0xC0  }
0x24: {  	_ =	task [dreg:s8], $0x5FFFF  }
0x25: {  	[dreg:$0x1] =	wrdreg $0xFFFFFFFF  }
0x26: {  	[dreg:$0x0] =	wrdreg $0x60  }
0x27: {  	[dreg:$0x2] =	wrdreg s2  }
0x28: {  	[dreg:$0x3] =	wrdreg s20  }
0x29: {  	[dreg:$0x4] =	wrdreg $0x9  }
0x2a: {  	_ =	task.clear_ibuf [dreg:s8], $0x5FFFF;
	_ =	strace $0x90000046  }
0x2b: {  	s29 =	simm.s32 $0x9;
	_ =	strace $0x80000048  }
0x2c: {  	_ =	swait.ge [sflag:s29], $0x1  }
0x2d: {  	[sflag:s29] =	ssyncadd.s32 $0xFFFFFFFF  }
0x2e: {  	_ =	strace $0x90000048  }
0x2f: {  	_ =	sfence  }
0x30: {  	s30 =	sld [smem:$0x0];
	_ =	sdelay $0x2  }
0x31: {  	s31 =	sshll.u32 s1, $0xD;
	s1 =	sshrl.u32 s1, $0x2  }
0x32: {  	s3 =	sand.u32 $0x4000, s31;
	s1 =	sadd.s32 s1, s30  }
0x33: {  	s0 =	sor.u32 s3, s0;
	s1 =	sshll.u32 s1, $0x11  }
0x34: {  	s0 =	sor.u32 s1, s0  }
0x35: {  	s0 =	sadd.s32 $0x8F2B, s0  }
0x36: {  	[sflag:s0] =	ssyncadd.remote.s32 $0x1  }
0x37: {  	_ =	sfence.sel $0xFFFF  }
0x38: {  	[dreg:$0x0] =	wrdreg $0xFFFFFFFF;
	(pc) =	sbr.abs _section_cstart, $3  }
0x39: {  	[dreg:$0x1] =	wrdreg $0xFFFFFFFF  }
0x3a: {  	_ =	task.clear_ibuf [dreg:s8], $0x2FFFF;
	_ =	strace $0x9FFFFFFF  }
0x3b: {  	(tm) =	ssettm $0x7FFFFFFF  }
tec
execute0_lowered:
.L_overlay_start_1:
0x0: {  	(tag) =	ssettag $0x1  }
0x1: {  	s0 =	srdreg.scid  }
0x2: {  	s1 =	sshll.u32 s0, $0x4  }
0x3: {  	s2 =	rddreg [dreg:$0x0];
	s0 =	stileid.u32;
	s1 =	sand.u32 $0x10, s1  }
0x4: {  	s4 =	rddreg [dreg:$0x1];
	s1 =	sor.u32 s0, s1  }
0x5: {  	s7 =	simm.s32 $0x1;
	s8 =	simm.s32 $0x2;
	s3 =	sshll.u32 s1, $0x1  }
0x6: {  	s9 =	simm.s32 $0x0;
	s12 =	simm.s32 $0x0;
	s6 =	ssub.s32 $0x800, s3  }
.Ltmp0:
0x7: {  	s11 =	simm.s32 $0x0;
	s5 =	sand.u32 $0x3E, s6;
	(pc) =	sbr.rel .LBB1_1-.Ltmp0, $4  }
0x8: {  	s1 =	rddreg [dreg:$0x2];
	_ =	strace $0x80000047;
	p0 =	sne.s32 s5, $0x0  }
0x9: {  	s6 =	sshrl.u32 s6, $0x6;
	s5 =	simm.s32 $0x1;
	s7 =	simm.s32 @!p0 $0x0  }
0xa: {  	s10 =	smov.u32 s3;
	[sflag:s5] =	ssyncpa.u1 $0x0;
	s6 =	sadd.s32 s7, s6  }
0xb: {  	[sflag:s8] =	ssyncpa.u1 $0x0;
	s8 =	simm.s32 $0x0;
	s7 =	sadd.s32 $0x1, s6  }
.LBB1_9:
0xc: {  	s14 =	sadd.s32 $0x40, s10  }
0xd: {  	p1 =	sgt.s32 s14, $0x7FF  }
0xe: {  	s14 =	smov.u32 @p1 s3;
	p1 =	sne.s32 s11, s7  }
.Ltmp1:
0xf: {  	p0 =	slt.u32 s11, $0x2;
	(pc) =	sbr.rel @!p1 .LBB1_10-.Ltmp1, $4  }
0x10: {  	s13 =	simm.s32 @!p0 $0x2  }
0x11: {  	s15 =	sadd.s32 $0x1, s11;
	_ =	swait.ge @!p0 [sflag:s13], $0x4000  }
0x12: {  	s12 =	smov.u32 s10;
	s9 =	sadd.s32 $0x4000, s9;
	[sflag:s13] =	ssyncset.done @!p0 $0x0  }
0x13: {  	s11 =	smov.u32 s15;
	s10 =	smov.u32 s14;
	[sflag:s13] =	ssyncadd.s32 @!p0 $0xFFFFC000  }
.LBB1_1:
0x14: {  	p0 =	sge.u32 s11, s6  }
0x15: {  	s13 =	sxor.u32 @!p0 $0xFFFFFFFF, s11  }
0x16: {  	s31 =	sadd.s32 $0xFFFFFFFF, s11;
	s14 =	sshll.u32 @!p0 s10, $0xA;
	s13 =	sshll.u32 @!p0 s13, $0xE  }
0x17: {  	s15 =	simm.s32 @!p0 $0x0;
	s14 =	sadd.s32 @!p0 s2, s14;
	s13 =	sand.u32 @!p0 $0x4000, s13  }
0x18: {  	[tilespmem:s13], [sflag:$0x1] =	stream.linear.gather @!p0 [hbm4b:s14+s15], $0x4000, $0x38;
	[tilespmem:$0x10000] =	vst v63  }
0x19: {  	p0 =	sge.u32 s31, s6  }
.Ltmp2:
0x1a: {  	_ = 	snop;
	(pc) =	sbr.rel @p0 .LBB1_9-.Ltmp2, $1  }
0x1b: {  	_ =	sdelay $0x3  }
0x1c: {  	s13 =	sshll.u32 s9, $0x2  }
0x1d: {  	_ =	swait.ge [sflag:s5], $0x4000;
	s14 =	sshll.u32 s11, $0xE;
	s16 =	simm.s32 $0x0  }
0x1e: {  	p1 =	por $0x1, $0x1;
	s13 =	sand.u32 $0x10000, s13;
	[sflag:s5] =	ssyncset.done $0x0  }
0x1f: {  	s14 =	sand.u32 $0x4000, s14;
	s15 =	sshrl.u32 s13, $0x2;
	[sflag:s5] =	ssyncadd.s32 $0xFFFFC000  }
0x20: {  	s13 =	sor.u32 $0x8000, s14;
	s14 =	sadd.s32 $0x8040, s15;
	s15 =	sadd.s32 $0x40, s15  }
.LBB1_3:
0x21: {  	s16 =	sshll.u32 s16, $0x2  }
0x22: {  	p0 =	por p1, p1;
	s17 =	sshra.s32 s16, $0x2  }
0x23: {  	s18 =	simm.s32 $0x0;
	s16 =	sadd.s32 s17, s14;
	s17 =	sadd.s32 s17, s15  }
.LBB1_4:
0x24: {  	v0 =	vmov s17;
	_ =	sdelay $0x3  }
0x25: {  	s20 =	simm.s32 $0x0  }
0x26: {  	v6 =	vld.idx.msk [tilespmem:v0+s20+$0x30 ss:$0x1], $0xffff  }
0x27: {  	v7 =	vld.idx.msk [tilespmem:v0+s20+$0xFFFFFFC0 ss:$0x1], $0xffff  }
0x28: {  	v5 =	vld.idx.msk [tilespmem:v0+s20+$0xFFFFFFD0 ss:$0x1], $0xffff  }
0x29: {  	v4 =	vld.idx.msk [tilespmem:v0+s20+$0xFFFFFFE0 ss:$0x1], $0xffff  }
0x2a: {  	v3 =	vld.idx.msk [tilespmem:v0+s20+$0xFFFFFFF0 ss:$0x1], $0xffff  }
0x2b: {  	v1 =	vld.idx.msk [tilespmem:v0+s20+$0x0 ss:$0x1], $0xffff  }
0x2c: {  	v2 =	vld.idx.msk [tilespmem:v0+s20+$0x10 ss:$0x1], $0xffff;
	[tilespmem:s16+$0x30] =	vst v6  }
0x2d: {  	s19 =	simm.s32 $0x80;
	s21 =	simm.s32 $0x400;
	[tilespmem:s16+$0xFFFFFFC0] =	vst v7;
	v6 =	vld.idx.msk [tilespmem:v0+s20+$0x20 ss:$0x1], $0xffff;
	s20 =	smov.u32 s16  }
.LBB1_5:
0x2e: {  	p1 =	sne.s32 s21, $0xE00;
	v7 =	vld.idx.msk [tilespmem:v0+s19+$0x30 ss:$0x1], $0xffff;
	[tilespmem:s20+$0xFFFFFFD0] =	vst v5  }
0x2f: {  	v8 =	vld.idx.msk [tilespmem:v0+s19+$0xFFFFFFC0 ss:$0x1], $0xffff;
	[tilespmem:s20+$0xFFFFFFE0] =	vst v4  }
0x30: {  	v5 =	vld.idx.msk [tilespmem:v0+s19+$0xFFFFFFD0 ss:$0x1], $0xffff;
	[tilespmem:s20+$0xFFFFFFF0] =	vst v3  }
.Ltmp3:
0x31: {  	v4 =	vld.idx.msk [tilespmem:v0+s19+$0xFFFFFFE0 ss:$0x1], $0xffff;
	[tilespmem:s20+$0x0] =	vst v1;
	(pc) =	sbr.rel @p1 .LBB1_5-.Ltmp3, $4  }
0x32: {  	v3 =	vld.idx.msk [tilespmem:v0+s19+$0xFFFFFFF0 ss:$0x1], $0xffff;
	[tilespmem:s20+$0x10] =	vst v2  }
0x33: {  	v1 =	vld.idx.msk [tilespmem:v0+s19+$0x0 ss:$0x1], $0xffff;
	[tilespmem:s20+$0x20] =	vst v6;
	s20 =	sadd.s32 $0x400, s20  }
0x34: {  	v2 =	vld.idx.msk [tilespmem:v0+s19+$0x10 ss:$0x1], $0xffff;
	[tilespmem:s20+$0x30] =	vst v7  }
0x35: {  	[tilespmem:s20+$0xFFFFFFC0] =	vst v8;
	v6 =	vld.idx.msk [tilespmem:v0+s19+$0x20 ss:$0x1], $0xffff;
	s19 =	sshra.s32 s21, $0x2;
	s21 =	sadd.s32 $0x200, s21  }
0x36: {  	_ =	sdelay $0x2  }
0x37: {  	[tilespmem:s20+$0xFFFFFFD0] =	vst v5  }
0x38: {  	v56 =	vld.idx.msk [tilespmem:v0+s19+$0x30 ss:$0x1], $0xffff;
	[tilespmem:s20+$0xFFFFFFE0] =	vst v4  }
0x39: {  	v57 =	vld.idx.msk [tilespmem:v0+s19+$0xFFFFFFC0 ss:$0x1], $0xffff;
	[tilespmem:s20+$0xFFFFFFF0] =	vst v3  }
0x3a: {  	v58 =	vld.idx.msk [tilespmem:v0+s19+$0xFFFFFFD0 ss:$0x1], $0xffff;
	[tilespmem:s20+$0x0] =	vst v1  }
0x3b: {  	v59 =	vld.idx.msk [tilespmem:v0+s19+$0xFFFFFFE0 ss:$0x1], $0xffff;
	[tilespmem:s20+$0x10] =	vst v2  }
0x3c: {  	v60 =	vld.idx.msk [tilespmem:v0+s19+$0xFFFFFFF0 ss:$0x1], $0xffff;
	s31 =	sadd.s32 $0x400, s20;
	[tilespmem:s20+$0x20] =	vst v6  }
0x3d: {  	v61 =	vld.idx.msk [tilespmem:v0+s19+$0x0 ss:$0x1], $0xffff;
	[tilespmem:s31+$0x30] =	vst v56  }
0x3e: {  	v62 =	vld.idx.msk [tilespmem:v0+s19+$0x10 ss:$0x1], $0xffff;
	s18 =	sadd.s32 $0x1, s18;
	[tilespmem:s31+$0xFFFFFFC0] =	vst v57  }
0x3f: {  	v63 =	vld.idx.msk [tilespmem:v0+s19+$0x20 ss:$0x1], $0xffff;
	p1 =	sne.s32 s18, $0x8;
	[tilespmem:s31+$0xFFFFFFD0] =	vst v58  }
.Ltmp4:
0x40: {  	[tilespmem:s31+$0xFFFFFFE0] =	vst v59;
	(pc) =	sbr.rel @p1 .LBB1_4-.Ltmp4, $4  }
0x41: {  	[tilespmem:s31+$0xFFFFFFF0] =	vst v60  }
0x42: {  	[tilespmem:s31+$0x0] =	vst v61  }
0x43: {  	[tilespmem:s31+$0x10] =	vst v62  }
0x44: {  	s16 =	sadd.s32 $0x80, s16;
	s17 =	sadd.s32 $0x400, s17;
	[tilespmem:s31+$0x20] =	vst v63  }
.Ltmp5:
0x45: {  	(pc) =	sbr.rel @p0 .LBB1_3-.Ltmp5, $2  }
0x46: {  	_ =	sdelay $0x2  }
0x47: {  	s16 =	simm.s32 $0x2000;
	p1 =	por $0x0, $0x0  }
.Ltmp6:
0x48: {  	(pc) =	sbr.rel .LBB1_9-.Ltmp6, $4  }
0x49: {  	_ = 	snop  }
0x4a: {  	s12 =	sshll.u32 s12, $0xA  }
0x4b: {  	s12 =	sadd.s32 s4, s12  }
0x4c: {  	[hbm4b:s12+s8] =	stream.linear.scatter [tilespmem:s13], [sflag:$0x2], $0x4000, $0x38;
	[tilespmem:$0x10000] =	vst v63  }
.LBB1_10:
0x4d: {  	_ =	sfence.sel $0x180000  }
0x4e: {  	s2 =	simm.s32 $0x1;
	[bflag:$0x0] =	sbarrier.arrive $0xFFFF  }
0x4f: {  	s31 =	simm.s32 $0x2;
	[sflag:s2] =	ssyncpa.u1 $0x1  }
0x50: {  	[sflag:s31] =	ssyncpa.u1 $0x1  }
0x51: {  	p0 =	sne.s32 s0, $0x0;
	_ =	strace $0x90000047  }
0x52: {  	s0 =	sadd.s32 @!p0 $0x100000, s1;
	[bflag:$0x2] =	sbarrier.arrive $0xFFFF  }
0x53: {  	[sflag:s0] =	ssyncadd.tile.s32 @!p0 $0x1;
	_ =	shalt  }
.Lfunc_end1:
_tile_overlayer_lowered:
.L_overlay_start_2:
0x54: {  	(tag) =	ssettag $0x2  }
0x55: {  	s0 =	rddreg [dreg:$0x0];
	s2 =	stileid.u32  }
0x56: {  	s1 =	rddreg [dreg:$0x1];
	p0 =	sne.s32 s2, $0x0  }
0x57: {  	s3 =	rddreg [dreg:$0x2];
	[bflag:$0x3] =	sbarrier.arrive $0xFFFF;
	s2 =	simm.s32 @!p0 $0x1C01  }
0x58: {  	[timem:s3], [sflag:s2] =	dma.local @!p0 [hbm:s0], s1  }
0x59: {  	s0 =	simm.s32 @!p0 $0x1  }
0x5a: {  	_ =	swait.ge @!p0 [sflag:s0], s1  }
0x5b: {  	s1 =	ssub.s32 @!p0 $0x0, s1;
	[sflag:s0] =	ssyncset.done @!p0 $0x0  }
0x5c: {  	[sflag:s0] =	ssyncadd.s32 @!p0 s1  }
0x5d: {  	[bflag:$0x3] =	sbarrier.arrive $0xFFFF  }
0x5e: {  	_ =	shalt  }

</sc_bundles>
